<compile_context>
chip_gen: v7x
topology: tpu7x:2x2x1
jax: 0.10.2.dev20260603
libtpu: 0.0.44.dev20260713+nightly
codegen_flags: <defaults>
</compile_context>

<pallas_src>
import functools

import jax
import jax.numpy as jnp
from jax import lax
from jax.experimental import pallas as pl
from jax.experimental.pallas import tpu as pltpu
from jax.experimental.pallas import tpu_sc as plsc

N = 1024
D = 512
KPOS = 5
KNEG = 10
KTOT = KPOS * (1 + KNEG)
KPAD = 128
KUSED = 56
NK = N * KPOS
TOTAL = N * KPAD
INV_T = 10.0

NWORKERS = 32
ROWS_PER_W = N // NWORKERS
PERW = TOTAL // NWORKERS


def _phase1_body(anchor_ref, sample_ref, s_ref, idx_ref):
    a = anchor_ref[...]
    an = a / jnp.maximum(jnp.sqrt(jnp.sum(a * a, axis=1, keepdims=True)), 1e-12)
    A = lax.dot_general(an, an, (((1,), (1,)), ((), ())),
                        preferred_element_type=jnp.float32)
    s = sample_ref[...]
    sn = s / jnp.maximum(jnp.sqrt(jnp.sum(s * s, axis=1, keepdims=True)), 1e-12)
    S = lax.dot_general(sn, sn, (((1,), (1,)), ((), ())),
                        preferred_element_type=jnp.float32)
    s_ref[...] = S.reshape(8 * N, 128)

    col = lax.broadcasted_iota(jnp.int32, (N, N), 1)
    row = lax.broadcasted_iota(jnp.int32, (N, 1), 0)
    packed_col = (N - 1) - col
    MASK_HI = jnp.int32(-65536)
    FLIP = jnp.int32(0x7FFFFFFF)
    MININT = jnp.int32(-2147483648)

    bits = lax.bitcast_convert_type(A, jnp.int32) & MASK_HI
    srt = jnp.where(bits < 0, bits ^ FLIP, bits) & MASK_HI
    key_hi = srt | packed_col
    key_lo = (srt ^ MASK_HI) | packed_col

    def extract_rounds(key, rounds):
        F = jnp.maximum(key[:, :N // 2], key[:, N // 2:])
        P = jnp.minimum(key[:, :N // 2], key[:, N // 2:])
        outs = []
        for r in range(rounds):
            kmax = jnp.max(F, axis=1, keepdims=True)
            outs.append((N - 1) - (kmax & jnp.int32(N - 1)))
            if r < rounds - 1:
                mask = F == kmax
                F = jnp.where(mask, P, F)
                P = jnp.where(mask, MININT, P)
        return outs

    pos_cols = extract_rounds(key_hi, KPOS)
    neg_cols = extract_rounds(key_lo, KNEG)

    for j in range(KPOS):
        qbase = ((KPOS * row + j) & (N - 1)) * N
        c = j * (1 + KNEG)
        idx_ref[:, c:c + 1] = qbase + pos_cols[j]
        for m in range(KNEG):
            idx_ref[:, c + 1 + m:c + 2 + m] = qbase + neg_cols[m]
    idx_ref[:, KTOT:KPAD] = jnp.zeros((N, KPAD - KTOT), jnp.int32)


@functools.cache
def _get_sc_gather():
    mesh = plsc.VectorSubcoreMesh(core_axis_name="c", subcore_axis_name="s")

    @functools.partial(
        pl.kernel,
        mesh=mesh,
        out_type=jax.ShapeDtypeStruct((TOTAL,), jnp.float32),
        scratch_types=[
            pltpu.VMEM((PERW,), jnp.int32),
            pltpu.VMEM((PERW,), jnp.float32),
            pltpu.SemaphoreType.DMA,
        ],
    )
    def _sc_gather(sflat, idxflat, out, idx_v, val_v, sem):
        wid = lax.axis_index("s") * mesh.num_cores + lax.axis_index("c")
        base = wid * PERW
        pltpu.sync_copy(idxflat.at[pl.ds(base, PERW)], idx_v)
        copies = [
            pltpu.async_copy(sflat.at[idx_v.at[pl.ds(r * KPAD, KUSED)]],
                             val_v.at[pl.ds(r * KPAD, KUSED)], sem)
            for r in range(ROWS_PER_W)
        ]
        for cp in copies:
            cp.wait()
        pltpu.sync_copy(val_v, out.at[pl.ds(base, PERW)])

    return _sc_gather


def _loss_body(v_ref, out_ref):
    lane = lax.broadcasted_iota(jnp.int32, (N, KPAD), 1)
    v = jnp.where(lane < KTOT, v_ref[...] * INV_T, 0.0)
    e = jnp.exp(v)
    cg = lax.broadcasted_iota(jnp.int32, (KPAD, KPOS), 0)
    jg = lax.broadcasted_iota(jnp.int32, (KPAD, KPOS), 1) * (1 + KNEG)
    seg = ((cg >= jg) & (cg < jg + (1 + KNEG))).astype(jnp.float32)
    possel = (cg == jg).astype(jnp.float32)
    denom = lax.dot_general(e, seg, (((1,), (0,)), ((), ())),
                            preferred_element_type=jnp.float32,
                            precision=lax.Precision.HIGHEST)
    pos = lax.dot_general(v, possel, (((1,), (0,)), ((), ())),
                          preferred_element_type=jnp.float32,
                          precision=lax.Precision.HIGHEST)
    out_ref[...] = jnp.sum(jnp.log(denom) - pos, keepdims=True) / NK


def kernel(anchor, sample):
    S, idx = pl.pallas_call(
        _phase1_body,
        out_shape=(jax.ShapeDtypeStruct((8 * N, 128), jnp.float32),
                   jax.ShapeDtypeStruct((N, KPAD), jnp.int32)),
    )(anchor, sample)
    vals = _get_sc_gather()(S.reshape(-1), idx.reshape(-1))
    loss = pl.pallas_call(
        _loss_body,
        out_shape=jax.ShapeDtypeStruct((1, 1), jnp.float32),
    )(vals.reshape(N, KPAD))
    return loss.reshape(())

# --- scband reference (transcript-rebuilt; emitter-appended) ---
"""Pipeline reference for scband-sample-loss-50611894616408 (READ-ONLY COPY).

The authoritative reference and input builder live on the scoring server;
editing this copy changes nothing except your own understanding.
"""

import jax, jax.numpy as jnp
import numpy as np


def _normalize(x):
    return x / jnp.maximum(jnp.linalg.norm(x, axis=-1, keepdims=True), 1e-12)


def _info_nce_paired(query, positive_key, negative_keys, temperature=0.1):
    # InfoNCE with negative_mode='paired' (info-nce-pytorch semantics)
    q = _normalize(query)
    p = _normalize(positive_key)
    n = _normalize(negative_keys)
    pos_logit = jnp.sum(q * p, axis=1, keepdims=True)            # [B, 1]
    neg_logits = jnp.einsum('bd,bmd->bm', q, n)                   # [B, M]
    logits = jnp.concatenate([pos_logit, neg_logits], axis=1) / temperature
    logp = jax.nn.log_softmax(logits, axis=1)
    # labels are all zeros -> mean cross entropy = -mean(logp[:, 0])
    return -jnp.mean(logp[:, 0])


def setup_inputs(seed: int = 0):
    key = jax.random.key(seed)
    k1, k2 = jax.random.split(key)
    anchor = jax.random.normal(k1, (1024, 512), dtype=jnp.float32)
    sample = jax.random.normal(k2, (1024, 512), dtype=jnp.float32)
    return {"anchor": anchor, "sample": sample}


def reference(anchor, sample):
    num = anchor.shape[0]
    # cosine similarity of all anchor pairs; identical math to
    # torch.cosine_similarity(anchor_row, anchor_col).reshape(num, num)
    a = _normalize(anchor)
    anchor_sim = a @ a.T                                          # [N, N]
    _pos_vals, pos_indices = jax.lax.top_k(anchor_sim, 5)        # largest, sorted desc
    _neg_vals, neg_indices = jax.lax.top_k(-anchor_sim, 10)      # smallest, sorted asc
    # torch: sample.repeat(5, 1) tiles whole tensor (NOT interleaved)
    query_logit = jnp.tile(sample, (5, 1))                        # [5N, D]
    pos_logit = jnp.take(sample, pos_indices.reshape(-1), axis=0) # [5N, D]
    neg_logit = jnp.take(sample, neg_indices.reshape(-1), axis=0).reshape(num, 10, -1)
    # torch: repeat_interleave(5, 0) -> each row repeated 5x consecutively
    neg_logit = jnp.repeat(neg_logit, 5, axis=0)                  # [5N, 10, D]
    return _info_nce_paired(query_logit, pos_logit, neg_logit)

if __name__ == "__main__":
    import jax
    _d = setup_inputs()
    print(jax.jit(kernel)(*tuple(_d.values())))

</pallas_src>

<mosaic_0001>
#map = affine_map<(d0, d1) -> (0)>
module attributes {stable_mosaic.version = 14 : i64} {
  func.func @_sc_gather(%arg0: i32, %arg1: i32, %arg2: memref<1048576xf32, #tpu.memory_space<hbm>>, %arg3: memref<131072xi32, #tpu.memory_space<hbm>>, %arg4: memref<131072xf32, #tpu.memory_space<hbm>>, %arg5: memref<4096xi32, #tpu.memory_space<vmem>>, %arg6: memref<4096xf32, #tpu.memory_space<vmem>>, %arg7: memref<!tpu.dma_semaphore, #tpu.memory_space<semaphore_mem>>) attributes {dimension_semantics = [#tpu.dimension_semantics<core_parallel>, #tpu.dimension_semantics<subcore_parallel>], iteration_bounds = array<i64: 2, 16>, scalar_prefetch = 0 : i64, scratch_operands = 3 : i64, tpu.core_type = #tpu.core_type<sc_vector_subcore>, window_params = [{transform_indices = #map}, {transform_indices = #map}, {transform_indices = #map}]} {
    %mul3A = arith.constant 2 : i32
    %mul3A_0 = arith.muli %arg1, %mul3A : i32
    %add3A = arith.addi %mul3A_0, %arg0 : i32
    %mul3A_1 = arith.constant 4096 : i32
    %mul3A_2 = arith.muli %add3A, %mul3A_1 : i32
    "tpu.region"() ({
      %run_scoped3A = tpu.sem_alloc : memref<!tpu.dma_semaphore, #tpu.memory_space<semaphore_mem>>
      %dma_start3A_385 = tpu.memref_slice %arg3[%mul3A_2] : memref<131072xi32, #tpu.memory_space<hbm>> -> memref<4096xi32, #tpu.memory_space<hbm>>
      %dma_start3A_386 = tpu.memref_slice %arg3[%mul3A_2] : memref<131072xi32, #tpu.memory_space<hbm>> -> memref<4096xi32, #tpu.memory_space<hbm>>
      tpu.enqueue_dma source(%dma_start3A_386 : memref<4096xi32, #tpu.memory_space<hbm>>) target(%arg5 : memref<4096xi32, #tpu.memory_space<vmem>>) target_semaphore(%run_scoped3A : memref<!tpu.dma_semaphore, #tpu.memory_space<semaphore_mem>>)
      %dma_wait3A_387 = tpu.memref_slice %arg3[%mul3A_2] : memref<131072xi32, #tpu.memory_space<hbm>> -> memref<4096xi32, #tpu.memory_space<hbm>>
      %dma_wait3A_388 = tpu.memref_slice %arg3[%mul3A_2] : memref<131072xi32, #tpu.memory_space<hbm>> -> memref<4096xi32, #tpu.memory_space<hbm>>
      tpu.wait_dma2 semaphore(%run_scoped3A : memref<!tpu.dma_semaphore, #tpu.memory_space<semaphore_mem>>) src(%dma_wait3A_388 : memref<4096xi32, #tpu.memory_space<hbm>>) dst(%arg5 : memref<4096xi32, #tpu.memory_space<vmem>>)
      tpu.yield
    }) : () -> ()
    %dma_start3A = arith.constant 0 : i32
    %dma_start3A_3 = tpu.memref_slice %arg6[%dma_start3A] : memref<4096xf32, #tpu.memory_space<vmem>> -> memref<56xf32, #tpu.memory_space<vmem>>
    %dma_start3A_4 = arith.constant 0 : i32
    %dma_start3A_5 = tpu.memref_slice %arg5[%dma_start3A_4] : memref<4096xi32, #tpu.memory_space<vmem>> -> memref<56xi32, #tpu.memory_space<vmem>>
    %dma_start3A_6 = arith.constant 0 : i32
    %dma_start3A_7 = tpu.memref_slice %arg2[%dma_start3A_6] : memref<1048576xf32, #tpu.memory_space<hbm>> -> memref<1048576xf32, #tpu.memory_space<hbm>>
    tpu.enqueue_indirect_dma source(%dma_start3A_7 : memref<1048576xf32, #tpu.memory_space<hbm>>) target(%dma_start3A_3 : memref<56xf32, #tpu.memory_space<vmem>>) offsets(%dma_start3A_5 : memref<56xi32, #tpu.memory_space<vmem>>) semaphore(%arg7 : memref<!tpu.dma_semaphore, #tpu.memory_space<semaphore_mem>>)
    %dma_start3A_8 = arith.constant 128 : i32
    %dma_start3A_9 = tpu.memref_slice %arg6[%dma_start3A_8] : memref<4096xf32, #tpu.memory_space<vmem>> -> memref<56xf32, #tpu.memory_space<vmem>>
    %dma_start3A_10 = arith.constant 128 : i32
    %dma_start3A_11 = tpu.memref_slice %arg5[%dma_start3A_10] : memref<4096xi32, #tpu.memory_space<vmem>> -> memref<56xi32, #tpu.memory_space<vmem>>
    %dma_start3A_12 = arith.constant 0 : i32
    %dma_start3A_13 = tpu.memref_slice %arg2[%dma_start3A_12] : memref<1048576xf32, #tpu.memory_space<hbm>> -> memref<1048576xf32, #tpu.memory_space<hbm>>
    tpu.enqueue_indirect_dma source(%dma_start3A_13 : memref<1048576xf32, #tpu.memory_space<hbm>>) target(%dma_start3A_9 : memref<56xf32, #tpu.memory_space<vmem>>) offsets(%dma_start3A_11 : memref<56xi32, #tpu.memory_space<vmem>>) semaphore(%arg7 : memref<!tpu.dma_semaphore, #tpu.memory_space<semaphore_mem>>)
    %dma_start3A_14 = arith.constant 256 : i32
    %dma_start3A_15 = tpu.memref_slice %arg6[%dma_start3A_14] : memref<4096xf32, #tpu.memory_space<vmem>> -> memref<56xf32, #tpu.memory_space<vmem>>
    %dma_start3A_16 = arith.constant 256 : i32
    %dma_start3A_17 = tpu.memref_slice %arg5[%dma_start3A_16] : memref<4096xi32, #tpu.memory_space<vmem>> -> memref<56xi32, #tpu.memory_space<vmem>>
    %dma_start3A_18 = arith.constant 0 : i32
    %dma_start3A_19 = tpu.memref_slice %arg2[%dma_start3A_18] : memref<1048576xf32, #tpu.memory_space<hbm>> -> memref<1048576xf32, #tpu.memory_space<hbm>>
    tpu.enqueue_indirect_dma source(%dma_start3A_19 : memref<1048576xf32, #tpu.memory_space<hbm>>) target(%dma_start3A_15 : memref<56xf32, #tpu.memory_space<vmem>>) offsets(%dma_start3A_17 : memref<56xi32, #tpu.memory_space<vmem>>) semaphore(%arg7 : memref<!tpu.dma_semaphore, #tpu.memory_space<semaphore_mem>>)
    %dma_start3A_20 = arith.constant 384 : i32
    %dma_start3A_21 = tpu.memref_slice %arg6[%dma_start3A_20] : memref<4096xf32, #tpu.memory_space<vmem>> -> memref<56xf32, #tpu.memory_space<vmem>>
    %dma_start3A_22 = arith.constant 384 : i32
    %dma_start3A_23 = tpu.memref_slice %arg5[%dma_start3A_22] : memref<4096xi32, #tpu.memory_space<vmem>> -> memref<56xi32, #tpu.memory_space<vmem>>
    %dma_start3A_24 = arith.constant 0 : i32
    %dma_start3A_25 = tpu.memref_slice %arg2[%dma_start3A_24] : memref<1048576xf32, #tpu.memory_space<hbm>> -> memref<1048576xf32, #tpu.memory_space<hbm>>
    tpu.enqueue_indirect_dma source(%dma_start3A_25 : memref<1048576xf32, #tpu.memory_space<hbm>>) target(%dma_start3A_21 : memref<56xf32, #tpu.memory_space<vmem>>) offsets(%dma_start3A_23 : memref<56xi32, #tpu.memory_space<vmem>>) semaphore(%arg7 : memref<!tpu.dma_semaphore, #tpu.memory_space<semaphore_mem>>)
    %dma_start3A_26 = arith.constant 512 : i32
    %dma_start3A_27 = tpu.memref_slice %arg6[%dma_start3A_26] : memref<4096xf32, #tpu.memory_space<vmem>> -> memref<56xf32, #tpu.memory_space<vmem>>
    %dma_start3A_28 = arith.constant 512 : i32
    %dma_start3A_29 = tpu.memref_slice %arg5[%dma_start3A_28] : memref<4096xi32, #tpu.memory_space<vmem>> -> memref<56xi32, #tpu.memory_space<vmem>>
    %dma_start3A_30 = arith.constant 0 : i32
    %dma_start3A_31 = tpu.memref_slice %arg2[%dma_start3A_30] : memref<1048576xf32, #tpu.memory_space<hbm>> -> memref<1048576xf32, #tpu.memory_space<hbm>>
    tpu.enqueue_indirect_dma source(%dma_start3A_31 : memref<1048576xf32, #tpu.memory_space<hbm>>) target(%dma_start3A_27 : memref<56xf32, #tpu.memory_space<vmem>>) offsets(%dma_start3A_29 : memref<56xi32, #tpu.memory_space<vmem>>) semaphore(%arg7 : memref<!tpu.dma_semaphore, #tpu.memory_space<semaphore_mem>>)
    %dma_start3A_32 = arith.constant 640 : i32
    %dma_start3A_33 = tpu.memref_slice %arg6[%dma_start3A_32] : memref<4096xf32, #tpu.memory_space<vmem>> -> memref<56xf32, #tpu.memory_space<vmem>>
    %dma_start3A_34 = arith.constant 640 : i32
    %dma_start3A_35 = tpu.memref_slice %arg5[%dma_start3A_34] : memref<4096xi32, #tpu.memory_space<vmem>> -> memref<56xi32, #tpu.memory_space<vmem>>
    %dma_start3A_36 = arith.constant 0 : i32
    %dma_start3A_37 = tpu.memref_slice %arg2[%dma_start3A_36] : memref<1048576xf32, #tpu.memory_space<hbm>> -> memref<1048576xf32, #tpu.memory_space<hbm>>
    tpu.enqueue_indirect_dma source(%dma_start3A_37 : memref<1048576xf32, #tpu.memory_space<hbm>>) target(%dma_start3A_33 : memref<56xf32, #tpu.memory_space<vmem>>) offsets(%dma_start3A_35 : memref<56xi32, #tpu.memory_space<vmem>>) semaphore(%arg7 : memref<!tpu.dma_semaphore, #tpu.memory_space<semaphore_mem>>)
    %dma_start3A_38 = arith.constant 768 : i32
    %dma_start3A_39 = tpu.memref_slice %arg6[%dma_start3A_38] : memref<4096xf32, #tpu.memory_space<vmem>> -> memref<56xf32, #tpu.memory_space<vmem>>
    %dma_start3A_40 = arith.constant 768 : i32
    %dma_start3A_41 = tpu.memref_slice %arg5[%dma_start3A_40] : memref<4096xi32, #tpu.memory_space<vmem>> -> memref<56xi32, #tpu.memory_space<vmem>>
    %dma_start3A_42 = arith.constant 0 : i32
    %dma_start3A_43 = tpu.memref_slice %arg2[%dma_start3A_42] : memref<1048576xf32, #tpu.memory_space<hbm>> -> memref<1048576xf32, #tpu.memory_space<hbm>>
    tpu.enqueue_indirect_dma source(%dma_start3A_43 : memref<1048576xf32, #tpu.memory_space<hbm>>) target(%dma_start3A_39 : memref<56xf32, #tpu.memory_space<vmem>>) offsets(%dma_start3A_41 : memref<56xi32, #tpu.memory_space<vmem>>) semaphore(%arg7 : memref<!tpu.dma_semaphore, #tpu.memory_space<semaphore_mem>>)
    %dma_start3A_44 = arith.constant 896 : i32
    %dma_start3A_45 = tpu.memref_slice %arg6[%dma_start3A_44] : memref<4096xf32, #tpu.memory_space<vmem>> -> memref<56xf32, #tpu.memory_space<vmem>>
    %dma_start3A_46 = arith.constant 896 : i32
    %dma_start3A_47 = tpu.memref_slice %arg5[%dma_start3A_46] : memref<4096xi32, #tpu.memory_space<vmem>> -> memref<56xi32, #tpu.memory_space<vmem>>
    %dma_start3A_48 = arith.constant 0 : i32
    %dma_start3A_49 = tpu.memref_slice %arg2[%dma_start3A_48] : memref<1048576xf32, #tpu.memory_space<hbm>> -> memref<1048576xf32, #tpu.memory_space<hbm>>
    tpu.enqueue_indirect_dma source(%dma_start3A_49 : memref<1048576xf32, #tpu.memory_space<hbm>>) target(%dma_start3A_45 : memref<56xf32, #tpu.memory_space<vmem>>) offsets(%dma_start3A_47 : memref<56xi32, #tpu.memory_space<vmem>>) semaphore(%arg7 : memref<!tpu.dma_semaphore, #tpu.memory_space<semaphore_mem>>)
    %dma_start3A_50 = arith.constant 1024 : i32
    %dma_start3A_51 = tpu.memref_slice %arg6[%dma_start3A_50] : memref<4096xf32, #tpu.memory_space<vmem>> -> memref<56xf32, #tpu.memory_space<vmem>>
    %dma_start3A_52 = arith.constant 1024 : i32
    %dma_start3A_53 = tpu.memref_slice %arg5[%dma_start3A_52] : memref<4096xi32, #tpu.memory_space<vmem>> -> memref<56xi32, #tpu.memory_space<vmem>>
    %dma_start3A_54 = arith.constant 0 : i32
    %dma_start3A_55 = tpu.memref_slice %arg2[%dma_start3A_54] : memref<1048576xf32, #tpu.memory_space<hbm>> -> memref<1048576xf32, #tpu.memory_space<hbm>>
    tpu.enqueue_indirect_dma source(%dma_start3A_55 : memref<1048576xf32, #tpu.memory_space<hbm>>) target(%dma_start3A_51 : memref<56xf32, #tpu.memory_space<vmem>>) offsets(%dma_start3A_53 : memref<56xi32, #tpu.memory_space<vmem>>) semaphore(%arg7 : memref<!tpu.dma_semaphore, #tpu.memory_space<semaphore_mem>>)
    %dma_start3A_56 = arith.constant 1152 : i32
    %dma_start3A_57 = tpu.memref_slice %arg6[%dma_start3A_56] : memref<4096xf32, #tpu.memory_space<vmem>> -> memref<56xf32, #tpu.memory_space<vmem>>
    %dma_start3A_58 = arith.constant 1152 : i32
    %dma_start3A_59 = tpu.memref_slice %arg5[%dma_start3A_58] : memref<4096xi32, #tpu.memory_space<vmem>> -> memref<56xi32, #tpu.memory_space<vmem>>
    %dma_start3A_60 = arith.constant 0 : i32
    %dma_start3A_61 = tpu.memref_slice %arg2[%dma_start3A_60] : memref<1048576xf32, #tpu.memory_space<hbm>> -> memref<1048576xf32, #tpu.memory_space<hbm>>
    tpu.enqueue_indirect_dma source(%dma_start3A_61 : memref<1048576xf32, #tpu.memory_space<hbm>>) target(%dma_start3A_57 : memref<56xf32, #tpu.memory_space<vmem>>) offsets(%dma_start3A_59 : memref<56xi32, #tpu.memory_space<vmem>>) semaphore(%arg7 : memref<!tpu.dma_semaphore, #tpu.memory_space<semaphore_mem>>)
    %dma_start3A_62 = arith.constant 1280 : i32
    %dma_start3A_63 = tpu.memref_slice %arg6[%dma_start3A_62] : memref<4096xf32, #tpu.memory_space<vmem>> -> memref<56xf32, #tpu.memory_space<vmem>>
    %dma_start3A_64 = arith.constant 1280 : i32
    %dma_start3A_65 = tpu.memref_slice %arg5[%dma_start3A_64] : memref<4096xi32, #tpu.memory_space<vmem>> -> memref<56xi32, #tpu.memory_space<vmem>>
    %dma_start3A_66 = arith.constant 0 : i32
    %dma_start3A_67 = tpu.memref_slice %arg2[%dma_start3A_66] : memref<1048576xf32, #tpu.memory_space<hbm>> -> memref<1048576xf32, #tpu.memory_space<hbm>>
    tpu.enqueue_indirect_dma source(%dma_start3A_67 : memref<1048576xf32, #tpu.memory_space<hbm>>) target(%dma_start3A_63 : memref<56xf32, #tpu.memory_space<vmem>>) offsets(%dma_start3A_65 : memref<56xi32, #tpu.memory_space<vmem>>) semaphore(%arg7 : memref<!tpu.dma_semaphore, #tpu.memory_space<semaphore_mem>>)
    %dma_start3A_68 = arith.constant 1408 : i32
    %dma_start3A_69 = tpu.memref_slice %arg6[%dma_start3A_68] : memref<4096xf32, #tpu.memory_space<vmem>> -> memref<56xf32, #tpu.memory_space<vmem>>
    %dma_start3A_70 = arith.constant 1408 : i32
    %dma_start3A_71 = tpu.memref_slice %arg5[%dma_start3A_70] : memref<4096xi32, #tpu.memory_space<vmem>> -> memref<56xi32, #tpu.memory_space<vmem>>
    %dma_start3A_72 = arith.constant 0 : i32
    %dma_start3A_73 = tpu.memref_slice %arg2[%dma_start3A_72] : memref<1048576xf32, #tpu.memory_space<hbm>> -> memref<1048576xf32, #tpu.memory_space<hbm>>
    tpu.enqueue_indirect_dma source(%dma_start3A_73 : memref<1048576xf32, #tpu.memory_space<hbm>>) target(%dma_start3A_69 : memref<56xf32, #tpu.memory_space<vmem>>) offsets(%dma_start3A_71 : memref<56xi32, #tpu.memory_space<vmem>>) semaphore(%arg7 : memref<!tpu.dma_semaphore, #tpu.memory_space<semaphore_mem>>)
    %dma_start3A_74 = arith.constant 1536 : i32
    %dma_start3A_75 = tpu.memref_slice %arg6[%dma_start3A_74] : memref<4096xf32, #tpu.memory_space<vmem>> -> memref<56xf32, #tpu.memory_space<vmem>>
    %dma_start3A_76 = arith.constant 1536 : i32
    %dma_start3A_77 = tpu.memref_slice %arg5[%dma_start3A_76] : memref<4096xi32, #tpu.memory_space<vmem>> -> memref<56xi32, #tpu.memory_space<vmem>>
    %dma_start3A_78 = arith.constant 0 : i32
    %dma_start3A_79 = tpu.memref_slice %arg2[%dma_start3A_78] : memref<1048576xf32, #tpu.memory_space<hbm>> -> memref<1048576xf32, #tpu.memory_space<hbm>>
    tpu.enqueue_indirect_dma source(%dma_start3A_79 : memref<1048576xf32, #tpu.memory_space<hbm>>) target(%dma_start3A_75 : memref<56xf32, #tpu.memory_space<vmem>>) offsets(%dma_start3A_77 : memref<56xi32, #tpu.memory_space<vmem>>) semaphore(%arg7 : memref<!tpu.dma_semaphore, #tpu.memory_space<semaphore_mem>>)
    %dma_start3A_80 = arith.constant 1664 : i32
    %dma_start3A_81 = tpu.memref_slice %arg6[%dma_start3A_80] : memref<4096xf32, #tpu.memory_space<vmem>> -> memref<56xf32, #tpu.memory_space<vmem>>
    %dma_start3A_82 = arith.constant 1664 : i32
    %dma_start3A_83 = tpu.memref_slice %arg5[%dma_start3A_82] : memref<4096xi32, #tpu.memory_space<vmem>> -> memref<56xi32, #tpu.memory_space<vmem>>
    %dma_start3A_84 = arith.constant 0 : i32
    %dma_start3A_85 = tpu.memref_slice %arg2[%dma_start3A_84] : memref<1048576xf32, #tpu.memory_space<hbm>> -> memref<1048576xf32, #tpu.memory_space<hbm>>
    tpu.enqueue_indirect_dma source(%dma_start3A_85 : memref<1048576xf32, #tpu.memory_space<hbm>>) target(%dma_start3A_81 : memref<56xf32, #tpu.memory_space<vmem>>) offsets(%dma_start3A_83 : memref<56xi32, #tpu.memory_space<vmem>>) semaphore(%arg7 : memref<!tpu.dma_semaphore, #tpu.memory_space<semaphore_mem>>)
    %dma_start3A_86 = arith.constant 1792 : i32
    %dma_start3A_87 = tpu.memref_slice %arg6[%dma_start3A_86] : memref<4096xf32, #tpu.memory_space<vmem>> -> memref<56xf32, #tpu.memory_space<vmem>>
    %dma_start3A_88 = arith.constant 1792 : i32
    %dma_start3A_89 = tpu.memref_slice %arg5[%dma_start3A_88] : memref<4096xi32, #tpu.memory_space<vmem>> -> memref<56xi32, #tpu.memory_space<vmem>>
    %dma_start3A_90 = arith.constant 0 : i32
    %dma_start3A_91 = tpu.memref_slice %arg2[%dma_start3A_90] : memref<1048576xf32, #tpu.memory_space<hbm>> -> memref<1048576xf32, #tpu.memory_space<hbm>>
    tpu.enqueue_indirect_dma source(%dma_start3A_91 : memref<1048576xf32, #tpu.memory_space<hbm>>) target(%dma_start3A_87 : memref<56xf32, #tpu.memory_space<vmem>>) offsets(%dma_start3A_89 : memref<56xi32, #tpu.memory_space<vmem>>) semaphore(%arg7 : memref<!tpu.dma_semaphore, #tpu.memory_space<semaphore_mem>>)
    %dma_start3A_92 = arith.constant 1920 : i32
    %dma_start3A_93 = tpu.memref_slice %arg6[%dma_start3A_92] : memref<4096xf32, #tpu.memory_space<vmem>> -> memref<56xf32, #tpu.memory_space<vmem>>
    %dma_start3A_94 = arith.constant 1920 : i32
    %dma_start3A_95 = tpu.memref_slice %arg5[%dma_start3A_94] : memref<4096xi32, #tpu.memory_space<vmem>> -> memref<56xi32, #tpu.memory_space<vmem>>
    %dma_start3A_96 = arith.constant 0 : i32
    %dma_start3A_97 = tpu.memref_slice %arg2[%dma_start3A_96] : memref<1048576xf32, #tpu.memory_space<hbm>> -> memref<1048576xf32, #tpu.memory_space<hbm>>
    tpu.enqueue_indirect_dma source(%dma_start3A_97 : memref<1048576xf32, #tpu.memory_space<hbm>>) target(%dma_start3A_93 : memref<56xf32, #tpu.memory_space<vmem>>) offsets(%dma_start3A_95 : memref<56xi32, #tpu.memory_space<vmem>>) semaphore(%arg7 : memref<!tpu.dma_semaphore, #tpu.memory_space<semaphore_mem>>)
    %dma_start3A_98 = arith.constant 2048 : i32
    %dma_start3A_99 = tpu.memref_slice %arg6[%dma_start3A_98] : memref<4096xf32, #tpu.memory_space<vmem>> -> memref<56xf32, #tpu.memory_space<vmem>>
    %dma_start3A_100 = arith.constant 2048 : i32
    %dma_start3A_101 = tpu.memref_slice %arg5[%dma_start3A_100] : memref<4096xi32, #tpu.memory_space<vmem>> -> memref<56xi32, #tpu.memory_space<vmem>>
    %dma_start3A_102 = arith.constant 0 : i32
    %dma_start3A_103 = tpu.memref_slice %arg2[%dma_start3A_102] : memref<1048576xf32, #tpu.memory_space<hbm>> -> memref<1048576xf32, #tpu.memory_space<hbm>>
    tpu.enqueue_indirect_dma source(%dma_start3A_103 : memref<1048576xf32, #tpu.memory_space<hbm>>) target(%dma_start3A_99 : memref<56xf32, #tpu.memory_space<vmem>>) offsets(%dma_start3A_101 : memref<56xi32, #tpu.memory_space<vmem>>) semaphore(%arg7 : memref<!tpu.dma_semaphore, #tpu.memory_space<semaphore_mem>>)
    %dma_start3A_104 = arith.constant 2176 : i32
    %dma_start3A_105 = tpu.memref_slice %arg6[%dma_start3A_104] : memref<4096xf32, #tpu.memory_space<vmem>> -> memref<56xf32, #tpu.memory_space<vmem>>
    %dma_start3A_106 = arith.constant 2176 : i32
    %dma_start3A_107 = tpu.memref_slice %arg5[%dma_start3A_106] : memref<4096xi32, #tpu.memory_space<vmem>> -> memref<56xi32, #tpu.memory_space<vmem>>
    %dma_start3A_108 = arith.constant 0 : i32
    %dma_start3A_109 = tpu.memref_slice %arg2[%dma_start3A_108] : memref<1048576xf32, #tpu.memory_space<hbm>> -> memref<1048576xf32, #tpu.memory_space<hbm>>
    tpu.enqueue_indirect_dma source(%dma_start3A_109 : memref<1048576xf32, #tpu.memory_space<hbm>>) target(%dma_start3A_105 : memref<56xf32, #tpu.memory_space<vmem>>) offsets(%dma_start3A_107 : memref<56xi32, #tpu.memory_space<vmem>>) semaphore(%arg7 : memref<!tpu.dma_semaphore, #tpu.memory_space<semaphore_mem>>)
    %dma_start3A_110 = arith.constant 2304 : i32
    %dma_start3A_111 = tpu.memref_slice %arg6[%dma_start3A_110] : memref<4096xf32, #tpu.memory_space<vmem>> -> memref<56xf32, #tpu.memory_space<vmem>>
    %dma_start3A_112 = arith.constant 2304 : i32
    %dma_start3A_113 = tpu.memref_slice %arg5[%dma_start3A_112] : memref<4096xi32, #tpu.memory_space<vmem>> -> memref<56xi32, #tpu.memory_space<vmem>>
    %dma_start3A_114 = arith.constant 0 : i32
    %dma_start3A_115 = tpu.memref_slice %arg2[%dma_start3A_114] : memref<1048576xf32, #tpu.memory_space<hbm>> -> memref<1048576xf32, #tpu.memory_space<hbm>>
    tpu.enqueue_indirect_dma source(%dma_start3A_115 : memref<1048576xf32, #tpu.memory_space<hbm>>) target(%dma_start3A_111 : memref<56xf32, #tpu.memory_space<vmem>>) offsets(%dma_start3A_113 : memref<56xi32, #tpu.memory_space<vmem>>) semaphore(%arg7 : memref<!tpu.dma_semaphore, #tpu.memory_space<semaphore_mem>>)
    %dma_start3A_116 = arith.constant 2432 : i32
    %dma_start3A_117 = tpu.memref_slice %arg6[%dma_start3A_116] : memref<4096xf32, #tpu.memory_space<vmem>> -> memref<56xf32, #tpu.memory_space<vmem>>
    %dma_start3A_118 = arith.constant 2432 : i32
    %dma_start3A_119 = tpu.memref_slice %arg5[%dma_start3A_118] : memref<4096xi32, #tpu.memory_space<vmem>> -> memref<56xi32, #tpu.memory_space<vmem>>
    %dma_start3A_120 = arith.constant 0 : i32
    %dma_start3A_121 = tpu.memref_slice %arg2[%dma_start3A_120] : memref<1048576xf32, #tpu.memory_space<hbm>> -> memref<1048576xf32, #tpu.memory_space<hbm>>
    tpu.enqueue_indirect_dma source(%dma_start3A_121 : memref<1048576xf32, #tpu.memory_space<hbm>>) target(%dma_start3A_117 : memref<56xf32, #tpu.memory_space<vmem>>) offsets(%dma_start3A_119 : memref<56xi32, #tpu.memory_space<vmem>>) semaphore(%arg7 : memref<!tpu.dma_semaphore, #tpu.memory_space<semaphore_mem>>)
    %dma_start3A_122 = arith.constant 2560 : i32
    %dma_start3A_123 = tpu.memref_slice %arg6[%dma_start3A_122] : memref<4096xf32, #tpu.memory_space<vmem>> -> memref<56xf32, #tpu.memory_space<vmem>>
    %dma_start3A_124 = arith.constant 2560 : i32
    %dma_start3A_125 = tpu.memref_slice %arg5[%dma_start3A_124] : memref<4096xi32, #tpu.memory_space<vmem>> -> memref<56xi32, #tpu.memory_space<vmem>>
    %dma_start3A_126 = arith.constant 0 : i32
    %dma_start3A_127 = tpu.memref_slice %arg2[%dma_start3A_126] : memref<1048576xf32, #tpu.memory_space<hbm>> -> memref<1048576xf32, #tpu.memory_space<hbm>>
    tpu.enqueue_indirect_dma source(%dma_start3A_127 : memref<1048576xf32, #tpu.memory_space<hbm>>) target(%dma_start3A_123 : memref<56xf32, #tpu.memory_space<vmem>>) offsets(%dma_start3A_125 : memref<56xi32, #tpu.memory_space<vmem>>) semaphore(%arg7 : memref<!tpu.dma_semaphore, #tpu.memory_space<semaphore_mem>>)
    %dma_start3A_128 = arith.constant 2688 : i32
    %dma_start3A_129 = tpu.memref_slice %arg6[%dma_start3A_128] : memref<4096xf32, #tpu.memory_space<vmem>> -> memref<56xf32, #tpu.memory_space<vmem>>
    %dma_start3A_130 = arith.constant 2688 : i32
    %dma_start3A_131 = tpu.memref_slice %arg5[%dma_start3A_130] : memref<4096xi32, #tpu.memory_space<vmem>> -> memref<56xi32, #tpu.memory_space<vmem>>
    %dma_start3A_132 = arith.constant 0 : i32
    %dma_start3A_133 = tpu.memref_slice %arg2[%dma_start3A_132] : memref<1048576xf32, #tpu.memory_space<hbm>> -> memref<1048576xf32, #tpu.memory_space<hbm>>
    tpu.enqueue_indirect_dma source(%dma_start3A_133 : memref<1048576xf32, #tpu.memory_space<hbm>>) target(%dma_start3A_129 : memref<56xf32, #tpu.memory_space<vmem>>) offsets(%dma_start3A_131 : memref<56xi32, #tpu.memory_space<vmem>>) semaphore(%arg7 : memref<!tpu.dma_semaphore, #tpu.memory_space<semaphore_mem>>)
    %dma_start3A_134 = arith.constant 2816 : i32
    %dma_start3A_135 = tpu.memref_slice %arg6[%dma_start3A_134] : memref<4096xf32, #tpu.memory_space<vmem>> -> memref<56xf32, #tpu.memory_space<vmem>>
    %dma_start3A_136 = arith.constant 2816 : i32
    %dma_start3A_137 = tpu.memref_slice %arg5[%dma_start3A_136] : memref<4096xi32, #tpu.memory_space<vmem>> -> memref<56xi32, #tpu.memory_space<vmem>>
    %dma_start3A_138 = arith.constant 0 : i32
    %dma_start3A_139 = tpu.memref_slice %arg2[%dma_start3A_138] : memref<1048576xf32, #tpu.memory_space<hbm>> -> memref<1048576xf32, #tpu.memory_space<hbm>>
    tpu.enqueue_indirect_dma source(%dma_start3A_139 : memref<1048576xf32, #tpu.memory_space<hbm>>) target(%dma_start3A_135 : memref<56xf32, #tpu.memory_space<vmem>>) offsets(%dma_start3A_137 : memref<56xi32, #tpu.memory_space<vmem>>) semaphore(%arg7 : memref<!tpu.dma_semaphore, #tpu.memory_space<semaphore_mem>>)
    %dma_start3A_140 = arith.constant 2944 : i32
    %dma_start3A_141 = tpu.memref_slice %arg6[%dma_start3A_140] : memref<4096xf32, #tpu.memory_space<vmem>> -> memref<56xf32, #tpu.memory_space<vmem>>
    %dma_start3A_142 = arith.constant 2944 : i32
    %dma_start3A_143 = tpu.memref_slice %arg5[%dma_start3A_142] : memref<4096xi32, #tpu.memory_space<vmem>> -> memref<56xi32, #tpu.memory_space<vmem>>
    %dma_start3A_144 = arith.constant 0 : i32
    %dma_start3A_145 = tpu.memref_slice %arg2[%dma_start3A_144] : memref<1048576xf32, #tpu.memory_space<hbm>> -> memref<1048576xf32, #tpu.memory_space<hbm>>
    tpu.enqueue_indirect_dma source(%dma_start3A_145 : memref<1048576xf32, #tpu.memory_space<hbm>>) target(%dma_start3A_141 : memref<56xf32, #tpu.memory_space<vmem>>) offsets(%dma_start3A_143 : memref<56xi32, #tpu.memory_space<vmem>>) semaphore(%arg7 : memref<!tpu.dma_semaphore, #tpu.memory_space<semaphore_mem>>)
    %dma_start3A_146 = arith.constant 3072 : i32
    %dma_start3A_147 = tpu.memref_slice %arg6[%dma_start3A_146] : memref<4096xf32, #tpu.memory_space<vmem>> -> memref<56xf32, #tpu.memory_space<vmem>>
    %dma_start3A_148 = arith.constant 3072 : i32
    %dma_start3A_149 = tpu.memref_slice %arg5[%dma_start3A_148] : memref<4096xi32, #tpu.memory_space<vmem>> -> memref<56xi32, #tpu.memory_space<vmem>>
    %dma_start3A_150 = arith.constant 0 : i32
    %dma_start3A_151 = tpu.memref_slice %arg2[%dma_start3A_150] : memref<1048576xf32, #tpu.memory_space<hbm>> -> memref<1048576xf32, #tpu.memory_space<hbm>>
    tpu.enqueue_indirect_dma source(%dma_start3A_151 : memref<1048576xf32, #tpu.memory_space<hbm>>) target(%dma_start3A_147 : memref<56xf32, #tpu.memory_space<vmem>>) offsets(%dma_start3A_149 : memref<56xi32, #tpu.memory_space<vmem>>) semaphore(%arg7 : memref<!tpu.dma_semaphore, #tpu.memory_space<semaphore_mem>>)
    %dma_start3A_152 = arith.constant 3200 : i32
    %dma_start3A_153 = tpu.memref_slice %arg6[%dma_start3A_152] : memref<4096xf32, #tpu.memory_space<vmem>> -> memref<56xf32, #tpu.memory_space<vmem>>
    %dma_start3A_154 = arith.constant 3200 : i32
    %dma_start3A_155 = tpu.memref_slice %arg5[%dma_start3A_154] : memref<4096xi32, #tpu.memory_space<vmem>> -> memref<56xi32, #tpu.memory_space<vmem>>
    %dma_start3A_156 = arith.constant 0 : i32
    %dma_start3A_157 = tpu.memref_slice %arg2[%dma_start3A_156] : memref<1048576xf32, #tpu.memory_space<hbm>> -> memref<1048576xf32, #tpu.memory_space<hbm>>
    tpu.enqueue_indirect_dma source(%dma_start3A_157 : memref<1048576xf32, #tpu.memory_space<hbm>>) target(%dma_start3A_153 : memref<56xf32, #tpu.memory_space<vmem>>) offsets(%dma_start3A_155 : memref<56xi32, #tpu.memory_space<vmem>>) semaphore(%arg7 : memref<!tpu.dma_semaphore, #tpu.memory_space<semaphore_mem>>)
    %dma_start3A_158 = arith.constant 3328 : i32
    %dma_start3A_159 = tpu.memref_slice %arg6[%dma_start3A_158] : memref<4096xf32, #tpu.memory_space<vmem>> -> memref<56xf32, #tpu.memory_space<vmem>>
    %dma_start3A_160 = arith.constant 3328 : i32
    %dma_start3A_161 = tpu.memref_slice %arg5[%dma_start3A_160] : memref<4096xi32, #tpu.memory_space<vmem>> -> memref<56xi32, #tpu.memory_space<vmem>>
    %dma_start3A_162 = arith.constant 0 : i32
    %dma_start3A_163 = tpu.memref_slice %arg2[%dma_start3A_162] : memref<1048576xf32, #tpu.memory_space<hbm>> -> memref<1048576xf32, #tpu.memory_space<hbm>>
    tpu.enqueue_indirect_dma source(%dma_start3A_163 : memref<1048576xf32, #tpu.memory_space<hbm>>) target(%dma_start3A_159 : memref<56xf32, #tpu.memory_space<vmem>>) offsets(%dma_start3A_161 : memref<56xi32, #tpu.memory_space<vmem>>) semaphore(%arg7 : memref<!tpu.dma_semaphore, #tpu.memory_space<semaphore_mem>>)
    %dma_start3A_164 = arith.constant 3456 : i32
    %dma_start3A_165 = tpu.memref_slice %arg6[%dma_start3A_164] : memref<4096xf32, #tpu.memory_space<vmem>> -> memref<56xf32, #tpu.memory_space<vmem>>
    %dma_start3A_166 = arith.constant 3456 : i32
    %dma_start3A_167 = tpu.memref_slice %arg5[%dma_start3A_166] : memref<4096xi32, #tpu.memory_space<vmem>> -> memref<56xi32, #tpu.memory_space<vmem>>
    %dma_start3A_168 = arith.constant 0 : i32
    %dma_start3A_169 = tpu.memref_slice %arg2[%dma_start3A_168] : memref<1048576xf32, #tpu.memory_space<hbm>> -> memref<1048576xf32, #tpu.memory_space<hbm>>
    tpu.enqueue_indirect_dma source(%dma_start3A_169 : memref<1048576xf32, #tpu.memory_space<hbm>>) target(%dma_start3A_165 : memref<56xf32, #tpu.memory_space<vmem>>) offsets(%dma_start3A_167 : memref<56xi32, #tpu.memory_space<vmem>>) semaphore(%arg7 : memref<!tpu.dma_semaphore, #tpu.memory_space<semaphore_mem>>)
    %dma_start3A_170 = arith.constant 3584 : i32
    %dma_start3A_171 = tpu.memref_slice %arg6[%dma_start3A_170] : memref<4096xf32, #tpu.memory_space<vmem>> -> memref<56xf32, #tpu.memory_space<vmem>>
    %dma_start3A_172 = arith.constant 3584 : i32
    %dma_start3A_173 = tpu.memref_slice %arg5[%dma_start3A_172] : memref<4096xi32, #tpu.memory_space<vmem>> -> memref<56xi32, #tpu.memory_space<vmem>>
    %dma_start3A_174 = arith.constant 0 : i32
    %dma_start3A_175 = tpu.memref_slice %arg2[%dma_start3A_174] : memref<1048576xf32, #tpu.memory_space<hbm>> -> memref<1048576xf32, #tpu.memory_space<hbm>>
    tpu.enqueue_indirect_dma source(%dma_start3A_175 : memref<1048576xf32, #tpu.memory_space<hbm>>) target(%dma_start3A_171 : memref<56xf32, #tpu.memory_space<vmem>>) offsets(%dma_start3A_173 : memref<56xi32, #tpu.memory_space<vmem>>) semaphore(%arg7 : memref<!tpu.dma_semaphore, #tpu.memory_space<semaphore_mem>>)
    %dma_start3A_176 = arith.constant 3712 : i32
    %dma_start3A_177 = tpu.memref_slice %arg6[%dma_start3A_176] : memref<4096xf32, #tpu.memory_space<vmem>> -> memref<56xf32, #tpu.memory_space<vmem>>
    %dma_start3A_178 = arith.constant 3712 : i32
    %dma_start3A_179 = tpu.memref_slice %arg5[%dma_start3A_178] : memref<4096xi32, #tpu.memory_space<vmem>> -> memref<56xi32, #tpu.memory_space<vmem>>
    %dma_start3A_180 = arith.constant 0 : i32
    %dma_start3A_181 = tpu.memref_slice %arg2[%dma_start3A_180] : memref<1048576xf32, #tpu.memory_space<hbm>> -> memref<1048576xf32, #tpu.memory_space<hbm>>
    tpu.enqueue_indirect_dma source(%dma_start3A_181 : memref<1048576xf32, #tpu.memory_space<hbm>>) target(%dma_start3A_177 : memref<56xf32, #tpu.memory_space<vmem>>) offsets(%dma_start3A_179 : memref<56xi32, #tpu.memory_space<vmem>>) semaphore(%arg7 : memref<!tpu.dma_semaphore, #tpu.memory_space<semaphore_mem>>)
    %dma_start3A_182 = arith.constant 3840 : i32
    %dma_start3A_183 = tpu.memref_slice %arg6[%dma_start3A_182] : memref<4096xf32, #tpu.memory_space<vmem>> -> memref<56xf32, #tpu.memory_space<vmem>>
    %dma_start3A_184 = arith.constant 3840 : i32
    %dma_start3A_185 = tpu.memref_slice %arg5[%dma_start3A_184] : memref<4096xi32, #tpu.memory_space<vmem>> -> memref<56xi32, #tpu.memory_space<vmem>>
    %dma_start3A_186 = arith.constant 0 : i32
    %dma_start3A_187 = tpu.memref_slice %arg2[%dma_start3A_186] : memref<1048576xf32, #tpu.memory_space<hbm>> -> memref<1048576xf32, #tpu.memory_space<hbm>>
    tpu.enqueue_indirect_dma source(%dma_start3A_187 : memref<1048576xf32, #tpu.memory_space<hbm>>) target(%dma_start3A_183 : memref<56xf32, #tpu.memory_space<vmem>>) offsets(%dma_start3A_185 : memref<56xi32, #tpu.memory_space<vmem>>) semaphore(%arg7 : memref<!tpu.dma_semaphore, #tpu.memory_space<semaphore_mem>>)
    %dma_start3A_188 = arith.constant 3968 : i32
    %dma_start3A_189 = tpu.memref_slice %arg6[%dma_start3A_188] : memref<4096xf32, #tpu.memory_space<vmem>> -> memref<56xf32, #tpu.memory_space<vmem>>
    %dma_start3A_190 = arith.constant 3968 : i32
    %dma_start3A_191 = tpu.memref_slice %arg5[%dma_start3A_190] : memref<4096xi32, #tpu.memory_space<vmem>> -> memref<56xi32, #tpu.memory_space<vmem>>
    %dma_start3A_192 = arith.constant 0 : i32
    %dma_start3A_193 = tpu.memref_slice %arg2[%dma_start3A_192] : memref<1048576xf32, #tpu.memory_space<hbm>> -> memref<1048576xf32, #tpu.memory_space<hbm>>
    tpu.enqueue_indirect_dma source(%dma_start3A_193 : memref<1048576xf32, #tpu.memory_space<hbm>>) target(%dma_start3A_189 : memref<56xf32, #tpu.memory_space<vmem>>) offsets(%dma_start3A_191 : memref<56xi32, #tpu.memory_space<vmem>>) semaphore(%arg7 : memref<!tpu.dma_semaphore, #tpu.memory_space<semaphore_mem>>)
    %dma_wait3A = arith.constant 0 : i32
    %dma_wait3A_194 = tpu.memref_slice %arg6[%dma_wait3A] : memref<4096xf32, #tpu.memory_space<vmem>> -> memref<56xf32, #tpu.memory_space<vmem>>
    %dma_wait3A_195 = arith.constant 0 : i32
    %dma_wait3A_196 = tpu.memref_slice %arg5[%dma_wait3A_195] : memref<4096xi32, #tpu.memory_space<vmem>> -> memref<56xi32, #tpu.memory_space<vmem>>
    %dma_wait3A_197 = arith.constant 0 : i32
    %dma_wait3A_198 = tpu.memref_slice %arg2[%dma_wait3A_197] : memref<1048576xf32, #tpu.memory_space<hbm>> -> memref<1048576xf32, #tpu.memory_space<hbm>>
    tpu.wait_indirect_dma semaphore(%arg7 : memref<!tpu.dma_semaphore, #tpu.memory_space<semaphore_mem>>) src(%dma_wait3A_198 : memref<1048576xf32, #tpu.memory_space<hbm>>) dst(%dma_wait3A_194 : memref<56xf32, #tpu.memory_space<vmem>>)
    %dma_wait3A_199 = arith.constant 128 : i32
    %dma_wait3A_200 = tpu.memref_slice %arg6[%dma_wait3A_199] : memref<4096xf32, #tpu.memory_space<vmem>> -> memref<56xf32, #tpu.memory_space<vmem>>
    %dma_wait3A_201 = arith.constant 128 : i32
    %dma_wait3A_202 = tpu.memref_slice %arg5[%dma_wait3A_201] : memref<4096xi32, #tpu.memory_space<vmem>> -> memref<56xi32, #tpu.memory_space<vmem>>
    %dma_wait3A_203 = arith.constant 0 : i32
    %dma_wait3A_204 = tpu.memref_slice %arg2[%dma_wait3A_203] : memref<1048576xf32, #tpu.memory_space<hbm>> -> memref<1048576xf32, #tpu.memory_space<hbm>>
    tpu.wait_indirect_dma semaphore(%arg7 : memref<!tpu.dma_semaphore, #tpu.memory_space<semaphore_mem>>) src(%dma_wait3A_204 : memref<1048576xf32, #tpu.memory_space<hbm>>) dst(%dma_wait3A_200 : memref<56xf32, #tpu.memory_space<vmem>>)
    %dma_wait3A_205 = arith.constant 256 : i32
    %dma_wait3A_206 = tpu.memref_slice %arg6[%dma_wait3A_205] : memref<4096xf32, #tpu.memory_space<vmem>> -> memref<56xf32, #tpu.memory_space<vmem>>
    %dma_wait3A_207 = arith.constant 256 : i32
    %dma_wait3A_208 = tpu.memref_slice %arg5[%dma_wait3A_207] : memref<4096xi32, #tpu.memory_space<vmem>> -> memref<56xi32, #tpu.memory_space<vmem>>
    %dma_wait3A_209 = arith.constant 0 : i32
    %dma_wait3A_210 = tpu.memref_slice %arg2[%dma_wait3A_209] : memref<1048576xf32, #tpu.memory_space<hbm>> -> memref<1048576xf32, #tpu.memory_space<hbm>>
    tpu.wait_indirect_dma semaphore(%arg7 : memref<!tpu.dma_semaphore, #tpu.memory_space<semaphore_mem>>) src(%dma_wait3A_210 : memref<1048576xf32, #tpu.memory_space<hbm>>) dst(%dma_wait3A_206 : memref<56xf32, #tpu.memory_space<vmem>>)
    %dma_wait3A_211 = arith.constant 384 : i32
    %dma_wait3A_212 = tpu.memref_slice %arg6[%dma_wait3A_211] : memref<4096xf32, #tpu.memory_space<vmem>> -> memref<56xf32, #tpu.memory_space<vmem>>
    %dma_wait3A_213 = arith.constant 384 : i32
    %dma_wait3A_214 = tpu.memref_slice %arg5[%dma_wait3A_213] : memref<4096xi32, #tpu.memory_space<vmem>> -> memref<56xi32, #tpu.memory_space<vmem>>
    %dma_wait3A_215 = arith.constant 0 : i32
    %dma_wait3A_216 = tpu.memref_slice %arg2[%dma_wait3A_215] : memref<1048576xf32, #tpu.memory_space<hbm>> -> memref<1048576xf32, #tpu.memory_space<hbm>>
    tpu.wait_indirect_dma semaphore(%arg7 : memref<!tpu.dma_semaphore, #tpu.memory_space<semaphore_mem>>) src(%dma_wait3A_216 : memref<1048576xf32, #tpu.memory_space<hbm>>) dst(%dma_wait3A_212 : memref<56xf32, #tpu.memory_space<vmem>>)
    %dma_wait3A_217 = arith.constant 512 : i32
    %dma_wait3A_218 = tpu.memref_slice %arg6[%dma_wait3A_217] : memref<4096xf32, #tpu.memory_space<vmem>> -> memref<56xf32, #tpu.memory_space<vmem>>
    %dma_wait3A_219 = arith.constant 512 : i32
    %dma_wait3A_220 = tpu.memref_slice %arg5[%dma_wait3A_219] : memref<4096xi32, #tpu.memory_space<vmem>> -> memref<56xi32, #tpu.memory_space<vmem>>
    %dma_wait3A_221 = arith.constant 0 : i32
    %dma_wait3A_222 = tpu.memref_slice %arg2[%dma_wait3A_221] : memref<1048576xf32, #tpu.memory_space<hbm>> -> memref<1048576xf32, #tpu.memory_space<hbm>>
    tpu.wait_indirect_dma semaphore(%arg7 : memref<!tpu.dma_semaphore, #tpu.memory_space<semaphore_mem>>) src(%dma_wait3A_222 : memref<1048576xf32, #tpu.memory_space<hbm>>) dst(%dma_wait3A_218 : memref<56xf32, #tpu.memory_space<vmem>>)
    %dma_wait3A_223 = arith.constant 640 : i32
    %dma_wait3A_224 = tpu.memref_slice %arg6[%dma_wait3A_223] : memref<4096xf32, #tpu.memory_space<vmem>> -> memref<56xf32, #tpu.memory_space<vmem>>
    %dma_wait3A_225 = arith.constant 640 : i32
    %dma_wait3A_226 = tpu.memref_slice %arg5[%dma_wait3A_225] : memref<4096xi32, #tpu.memory_space<vmem>> -> memref<56xi32, #tpu.memory_space<vmem>>
    %dma_wait3A_227 = arith.constant 0 : i32
    %dma_wait3A_228 = tpu.memref_slice %arg2[%dma_wait3A_227] : memref<1048576xf32, #tpu.memory_space<hbm>> -> memref<1048576xf32, #tpu.memory_space<hbm>>
    tpu.wait_indirect_dma semaphore(%arg7 : memref<!tpu.dma_semaphore, #tpu.memory_space<semaphore_mem>>) src(%dma_wait3A_228 : memref<1048576xf32, #tpu.memory_space<hbm>>) dst(%dma_wait3A_224 : memref<56xf32, #tpu.memory_space<vmem>>)
    %dma_wait3A_229 = arith.constant 768 : i32
    %dma_wait3A_230 = tpu.memref_slice %arg6[%dma_wait3A_229] : memref<4096xf32, #tpu.memory_space<vmem>> -> memref<56xf32, #tpu.memory_space<vmem>>
    %dma_wait3A_231 = arith.constant 768 : i32
    %dma_wait3A_232 = tpu.memref_slice %arg5[%dma_wait3A_231] : memref<4096xi32, #tpu.memory_space<vmem>> -> memref<56xi32, #tpu.memory_space<vmem>>
    %dma_wait3A_233 = arith.constant 0 : i32
    %dma_wait3A_234 = tpu.memref_slice %arg2[%dma_wait3A_233] : memref<1048576xf32, #tpu.memory_space<hbm>> -> memref<1048576xf32, #tpu.memory_space<hbm>>
    tpu.wait_indirect_dma semaphore(%arg7 : memref<!tpu.dma_semaphore, #tpu.memory_space<semaphore_mem>>) src(%dma_wait3A_234 : memref<1048576xf32, #tpu.memory_space<hbm>>) dst(%dma_wait3A_230 : memref<56xf32, #tpu.memory_space<vmem>>)
    %dma_wait3A_235 = arith.constant 896 : i32
    %dma_wait3A_236 = tpu.memref_slice %arg6[%dma_wait3A_235] : memref<4096xf32, #tpu.memory_space<vmem>> -> memref<56xf32, #tpu.memory_space<vmem>>
    %dma_wait3A_237 = arith.constant 896 : i32
    %dma_wait3A_238 = tpu.memref_slice %arg5[%dma_wait3A_237] : memref<4096xi32, #tpu.memory_space<vmem>> -> memref<56xi32, #tpu.memory_space<vmem>>
    %dma_wait3A_239 = arith.constant 0 : i32
    %dma_wait3A_240 = tpu.memref_slice %arg2[%dma_wait3A_239] : memref<1048576xf32, #tpu.memory_space<hbm>> -> memref<1048576xf32, #tpu.memory_space<hbm>>
    tpu.wait_indirect_dma semaphore(%arg7 : memref<!tpu.dma_semaphore, #tpu.memory_space<semaphore_mem>>) src(%dma_wait3A_240 : memref<1048576xf32, #tpu.memory_space<hbm>>) dst(%dma_wait3A_236 : memref<56xf32, #tpu.memory_space<vmem>>)
    %dma_wait3A_241 = arith.constant 1024 : i32
    %dma_wait3A_242 = tpu.memref_slice %arg6[%dma_wait3A_241] : memref<4096xf32, #tpu.memory_space<vmem>> -> memref<56xf32, #tpu.memory_space<vmem>>
    %dma_wait3A_243 = arith.constant 1024 : i32
    %dma_wait3A_244 = tpu.memref_slice %arg5[%dma_wait3A_243] : memref<4096xi32, #tpu.memory_space<vmem>> -> memref<56xi32, #tpu.memory_space<vmem>>
    %dma_wait3A_245 = arith.constant 0 : i32
    %dma_wait3A_246 = tpu.memref_slice %arg2[%dma_wait3A_245] : memref<1048576xf32, #tpu.memory_space<hbm>> -> memref<1048576xf32, #tpu.memory_space<hbm>>
    tpu.wait_indirect_dma semaphore(%arg7 : memref<!tpu.dma_semaphore, #tpu.memory_space<semaphore_mem>>) src(%dma_wait3A_246 : memref<1048576xf32, #tpu.memory_space<hbm>>) dst(%dma_wait3A_242 : memref<56xf32, #tpu.memory_space<vmem>>)
    %dma_wait3A_247 = arith.constant 1152 : i32
    %dma_wait3A_248 = tpu.memref_slice %arg6[%dma_wait3A_247] : memref<4096xf32, #tpu.memory_space<vmem>> -> memref<56xf32, #tpu.memory_space<vmem>>
    %dma_wait3A_249 = arith.constant 1152 : i32
    %dma_wait3A_250 = tpu.memref_slice %arg5[%dma_wait3A_249] : memref<4096xi32, #tpu.memory_space<vmem>> -> memref<56xi32, #tpu.memory_space<vmem>>
    %dma_wait3A_251 = arith.constant 0 : i32
    %dma_wait3A_252 = tpu.memref_slice %arg2[%dma_wait3A_251] : memref<1048576xf32, #tpu.memory_space<hbm>> -> memref<1048576xf32, #tpu.memory_space<hbm>>
    tpu.wait_indirect_dma semaphore(%arg7 : memref<!tpu.dma_semaphore, #tpu.memory_space<semaphore_mem>>) src(%dma_wait3A_252 : memref<1048576xf32, #tpu.memory_space<hbm>>) dst(%dma_wait3A_248 : memref<56xf32, #tpu.memory_space<vmem>>)
    %dma_wait3A_253 = arith.constant 1280 : i32
    %dma_wait3A_254 = tpu.memref_slice %arg6[%dma_wait3A_253] : memref<4096xf32, #tpu.memory_space<vmem>> -> memref<56xf32, #tpu.memory_space<vmem>>
    %dma_wait3A_255 = arith.constant 1280 : i32
    %dma_wait3A_256 = tpu.memref_slice %arg5[%dma_wait3A_255] : memref<4096xi32, #tpu.memory_space<vmem>> -> memref<56xi32, #tpu.memory_space<vmem>>
    %dma_wait3A_257 = arith.constant 0 : i32
    %dma_wait3A_258 = tpu.memref_slice %arg2[%dma_wait3A_257] : memref<1048576xf32, #tpu.memory_space<hbm>> -> memref<1048576xf32, #tpu.memory_space<hbm>>
    tpu.wait_indirect_dma semaphore(%arg7 : memref<!tpu.dma_semaphore, #tpu.memory_space<semaphore_mem>>) src(%dma_wait3A_258 : memref<1048576xf32, #tpu.memory_space<hbm>>) dst(%dma_wait3A_254 : memref<56xf32, #tpu.memory_space<vmem>>)
    %dma_wait3A_259 = arith.constant 1408 : i32
    %dma_wait3A_260 = tpu.memref_slice %arg6[%dma_wait3A_259] : memref<4096xf32, #tpu.memory_space<vmem>> -> memref<56xf32, #tpu.memory_space<vmem>>
    %dma_wait3A_261 = arith.constant 1408 : i32
    %dma_wait3A_262 = tpu.memref_slice %arg5[%dma_wait3A_261] : memref<4096xi32, #tpu.memory_space<vmem>> -> memref<56xi32, #tpu.memory_space<vmem>>
    %dma_wait3A_263 = arith.constant 0 : i32
    %dma_wait3A_264 = tpu.memref_slice %arg2[%dma_wait3A_263] : memref<1048576xf32, #tpu.memory_space<hbm>> -> memref<1048576xf32, #tpu.memory_space<hbm>>
    tpu.wait_indirect_dma semaphore(%arg7 : memref<!tpu.dma_semaphore, #tpu.memory_space<semaphore_mem>>) src(%dma_wait3A_264 : memref<1048576xf32, #tpu.memory_space<hbm>>) dst(%dma_wait3A_260 : memref<56xf32, #tpu.memory_space<vmem>>)
    %dma_wait3A_265 = arith.constant 1536 : i32
    %dma_wait3A_266 = tpu.memref_slice %arg6[%dma_wait3A_265] : memref<4096xf32, #tpu.memory_space<vmem>> -> memref<56xf32, #tpu.memory_space<vmem>>
    %dma_wait3A_267 = arith.constant 1536 : i32
    %dma_wait3A_268 = tpu.memref_slice %arg5[%dma_wait3A_267] : memref<4096xi32, #tpu.memory_space<vmem>> -> memref<56xi32, #tpu.memory_space<vmem>>
    %dma_wait3A_269 = arith.constant 0 : i32
    %dma_wait3A_270 = tpu.memref_slice %arg2[%dma_wait3A_269] : memref<1048576xf32, #tpu.memory_space<hbm>> -> memref<1048576xf32, #tpu.memory_space<hbm>>
    tpu.wait_indirect_dma semaphore(%arg7 : memref<!tpu.dma_semaphore, #tpu.memory_space<semaphore_mem>>) src(%dma_wait3A_270 : memref<1048576xf32, #tpu.memory_space<hbm>>) dst(%dma_wait3A_266 : memref<56xf32, #tpu.memory_space<vmem>>)
    %dma_wait3A_271 = arith.constant 1664 : i32
    %dma_wait3A_272 = tpu.memref_slice %arg6[%dma_wait3A_271] : memref<4096xf32, #tpu.memory_space<vmem>> -> memref<56xf32, #tpu.memory_space<vmem>>
    %dma_wait3A_273 = arith.constant 1664 : i32
    %dma_wait3A_274 = tpu.memref_slice %arg5[%dma_wait3A_273] : memref<4096xi32, #tpu.memory_space<vmem>> -> memref<56xi32, #tpu.memory_space<vmem>>
    %dma_wait3A_275 = arith.constant 0 : i32
    %dma_wait3A_276 = tpu.memref_slice %arg2[%dma_wait3A_275] : memref<1048576xf32, #tpu.memory_space<hbm>> -> memref<1048576xf32, #tpu.memory_space<hbm>>
    tpu.wait_indirect_dma semaphore(%arg7 : memref<!tpu.dma_semaphore, #tpu.memory_space<semaphore_mem>>) src(%dma_wait3A_276 : memref<1048576xf32, #tpu.memory_space<hbm>>) dst(%dma_wait3A_272 : memref<56xf32, #tpu.memory_space<vmem>>)
    %dma_wait3A_277 = arith.constant 1792 : i32
    %dma_wait3A_278 = tpu.memref_slice %arg6[%dma_wait3A_277] : memref<4096xf32, #tpu.memory_space<vmem>> -> memref<56xf32, #tpu.memory_space<vmem>>
    %dma_wait3A_279 = arith.constant 1792 : i32
    %dma_wait3A_280 = tpu.memref_slice %arg5[%dma_wait3A_279] : memref<4096xi32, #tpu.memory_space<vmem>> -> memref<56xi32, #tpu.memory_space<vmem>>
    %dma_wait3A_281 = arith.constant 0 : i32
    %dma_wait3A_282 = tpu.memref_slice %arg2[%dma_wait3A_281] : memref<1048576xf32, #tpu.memory_space<hbm>> -> memref<1048576xf32, #tpu.memory_space<hbm>>
    tpu.wait_indirect_dma semaphore(%arg7 : memref<!tpu.dma_semaphore, #tpu.memory_space<semaphore_mem>>) src(%dma_wait3A_282 : memref<1048576xf32, #tpu.memory_space<hbm>>) dst(%dma_wait3A_278 : memref<56xf32, #tpu.memory_space<vmem>>)
    %dma_wait3A_283 = arith.constant 1920 : i32
    %dma_wait3A_284 = tpu.memref_slice %arg6[%dma_wait3A_283] : memref<4096xf32, #tpu.memory_space<vmem>> -> memref<56xf32, #tpu.memory_space<vmem>>
    %dma_wait3A_285 = arith.constant 1920 : i32
    %dma_wait3A_286 = tpu.memref_slice %arg5[%dma_wait3A_285] : memref<4096xi32, #tpu.memory_space<vmem>> -> memref<56xi32, #tpu.memory_space<vmem>>
    %dma_wait3A_287 = arith.constant 0 : i32
    %dma_wait3A_288 = tpu.memref_slice %arg2[%dma_wait3A_287] : memref<1048576xf32, #tpu.memory_space<hbm>> -> memref<1048576xf32, #tpu.memory_space<hbm>>
    tpu.wait_indirect_dma semaphore(%arg7 : memref<!tpu.dma_semaphore, #tpu.memory_space<semaphore_mem>>) src(%dma_wait3A_288 : memref<1048576xf32, #tpu.memory_space<hbm>>) dst(%dma_wait3A_284 : memref<56xf32, #tpu.memory_space<vmem>>)
    %dma_wait3A_289 = arith.constant 2048 : i32
    %dma_wait3A_290 = tpu.memref_slice %arg6[%dma_wait3A_289] : memref<4096xf32, #tpu.memory_space<vmem>> -> memref<56xf32, #tpu.memory_space<vmem>>
    %dma_wait3A_291 = arith.constant 2048 : i32
    %dma_wait3A_292 = tpu.memref_slice %arg5[%dma_wait3A_291] : memref<4096xi32, #tpu.memory_space<vmem>> -> memref<56xi32, #tpu.memory_space<vmem>>
    %dma_wait3A_293 = arith.constant 0 : i32
    %dma_wait3A_294 = tpu.memref_slice %arg2[%dma_wait3A_293] : memref<1048576xf32, #tpu.memory_space<hbm>> -> memref<1048576xf32, #tpu.memory_space<hbm>>
    tpu.wait_indirect_dma semaphore(%arg7 : memref<!tpu.dma_semaphore, #tpu.memory_space<semaphore_mem>>) src(%dma_wait3A_294 : memref<1048576xf32, #tpu.memory_space<hbm>>) dst(%dma_wait3A_290 : memref<56xf32, #tpu.memory_space<vmem>>)
    %dma_wait3A_295 = arith.constant 2176 : i32
    %dma_wait3A_296 = tpu.memref_slice %arg6[%dma_wait3A_295] : memref<4096xf32, #tpu.memory_space<vmem>> -> memref<56xf32, #tpu.memory_space<vmem>>
    %dma_wait3A_297 = arith.constant 2176 : i32
    %dma_wait3A_298 = tpu.memref_slice %arg5[%dma_wait3A_297] : memref<4096xi32, #tpu.memory_space<vmem>> -> memref<56xi32, #tpu.memory_space<vmem>>
    %dma_wait3A_299 = arith.constant 0 : i32
    %dma_wait3A_300 = tpu.memref_slice %arg2[%dma_wait3A_299] : memref<1048576xf32, #tpu.memory_space<hbm>> -> memref<1048576xf32, #tpu.memory_space<hbm>>
    tpu.wait_indirect_dma semaphore(%arg7 : memref<!tpu.dma_semaphore, #tpu.memory_space<semaphore_mem>>) src(%dma_wait3A_300 : memref<1048576xf32, #tpu.memory_space<hbm>>) dst(%dma_wait3A_296 : memref<56xf32, #tpu.memory_space<vmem>>)
    %dma_wait3A_301 = arith.constant 2304 : i32
    %dma_wait3A_302 = tpu.memref_slice %arg6[%dma_wait3A_301] : memref<4096xf32, #tpu.memory_space<vmem>> -> memref<56xf32, #tpu.memory_space<vmem>>
    %dma_wait3A_303 = arith.constant 2304 : i32
    %dma_wait3A_304 = tpu.memref_slice %arg5[%dma_wait3A_303] : memref<4096xi32, #tpu.memory_space<vmem>> -> memref<56xi32, #tpu.memory_space<vmem>>
    %dma_wait3A_305 = arith.constant 0 : i32
    %dma_wait3A_306 = tpu.memref_slice %arg2[%dma_wait3A_305] : memref<1048576xf32, #tpu.memory_space<hbm>> -> memref<1048576xf32, #tpu.memory_space<hbm>>
    tpu.wait_indirect_dma semaphore(%arg7 : memref<!tpu.dma_semaphore, #tpu.memory_space<semaphore_mem>>) src(%dma_wait3A_306 : memref<1048576xf32, #tpu.memory_space<hbm>>) dst(%dma_wait3A_302 : memref<56xf32, #tpu.memory_space<vmem>>)
    %dma_wait3A_307 = arith.constant 2432 : i32
    %dma_wait3A_308 = tpu.memref_slice %arg6[%dma_wait3A_307] : memref<4096xf32, #tpu.memory_space<vmem>> -> memref<56xf32, #tpu.memory_space<vmem>>
    %dma_wait3A_309 = arith.constant 2432 : i32
    %dma_wait3A_310 = tpu.memref_slice %arg5[%dma_wait3A_309] : memref<4096xi32, #tpu.memory_space<vmem>> -> memref<56xi32, #tpu.memory_space<vmem>>
    %dma_wait3A_311 = arith.constant 0 : i32
    %dma_wait3A_312 = tpu.memref_slice %arg2[%dma_wait3A_311] : memref<1048576xf32, #tpu.memory_space<hbm>> -> memref<1048576xf32, #tpu.memory_space<hbm>>
    tpu.wait_indirect_dma semaphore(%arg7 : memref<!tpu.dma_semaphore, #tpu.memory_space<semaphore_mem>>) src(%dma_wait3A_312 : memref<1048576xf32, #tpu.memory_space<hbm>>) dst(%dma_wait3A_308 : memref<56xf32, #tpu.memory_space<vmem>>)
    %dma_wait3A_313 = arith.constant 2560 : i32
    %dma_wait3A_314 = tpu.memref_slice %arg6[%dma_wait3A_313] : memref<4096xf32, #tpu.memory_space<vmem>> -> memref<56xf32, #tpu.memory_space<vmem>>
    %dma_wait3A_315 = arith.constant 2560 : i32
    %dma_wait3A_316 = tpu.memref_slice %arg5[%dma_wait3A_315] : memref<4096xi32, #tpu.memory_space<vmem>> -> memref<56xi32, #tpu.memory_space<vmem>>
    %dma_wait3A_317 = arith.constant 0 : i32
    %dma_wait3A_318 = tpu.memref_slice %arg2[%dma_wait3A_317] : memref<1048576xf32, #tpu.memory_space<hbm>> -> memref<1048576xf32, #tpu.memory_space<hbm>>
    tpu.wait_indirect_dma semaphore(%arg7 : memref<!tpu.dma_semaphore, #tpu.memory_space<semaphore_mem>>) src(%dma_wait3A_318 : memref<1048576xf32, #tpu.memory_space<hbm>>) dst(%dma_wait3A_314 : memref<56xf32, #tpu.memory_space<vmem>>)
    %dma_wait3A_319 = arith.constant 2688 : i32
    %dma_wait3A_320 = tpu.memref_slice %arg6[%dma_wait3A_319] : memref<4096xf32, #tpu.memory_space<vmem>> -> memref<56xf32, #tpu.memory_space<vmem>>
    %dma_wait3A_321 = arith.constant 2688 : i32
    %dma_wait3A_322 = tpu.memref_slice %arg5[%dma_wait3A_321] : memref<4096xi32, #tpu.memory_space<vmem>> -> memref<56xi32, #tpu.memory_space<vmem>>
    %dma_wait3A_323 = arith.constant 0 : i32
    %dma_wait3A_324 = tpu.memref_slice %arg2[%dma_wait3A_323] : memref<1048576xf32, #tpu.memory_space<hbm>> -> memref<1048576xf32, #tpu.memory_space<hbm>>
    tpu.wait_indirect_dma semaphore(%arg7 : memref<!tpu.dma_semaphore, #tpu.memory_space<semaphore_mem>>) src(%dma_wait3A_324 : memref<1048576xf32, #tpu.memory_space<hbm>>) dst(%dma_wait3A_320 : memref<56xf32, #tpu.memory_space<vmem>>)
    %dma_wait3A_325 = arith.constant 2816 : i32
    %dma_wait3A_326 = tpu.memref_slice %arg6[%dma_wait3A_325] : memref<4096xf32, #tpu.memory_space<vmem>> -> memref<56xf32, #tpu.memory_space<vmem>>
    %dma_wait3A_327 = arith.constant 2816 : i32
    %dma_wait3A_328 = tpu.memref_slice %arg5[%dma_wait3A_327] : memref<4096xi32, #tpu.memory_space<vmem>> -> memref<56xi32, #tpu.memory_space<vmem>>
    %dma_wait3A_329 = arith.constant 0 : i32
    %dma_wait3A_330 = tpu.memref_slice %arg2[%dma_wait3A_329] : memref<1048576xf32, #tpu.memory_space<hbm>> -> memref<1048576xf32, #tpu.memory_space<hbm>>
    tpu.wait_indirect_dma semaphore(%arg7 : memref<!tpu.dma_semaphore, #tpu.memory_space<semaphore_mem>>) src(%dma_wait3A_330 : memref<1048576xf32, #tpu.memory_space<hbm>>) dst(%dma_wait3A_326 : memref<56xf32, #tpu.memory_space<vmem>>)
    %dma_wait3A_331 = arith.constant 2944 : i32
    %dma_wait3A_332 = tpu.memref_slice %arg6[%dma_wait3A_331] : memref<4096xf32, #tpu.memory_space<vmem>> -> memref<56xf32, #tpu.memory_space<vmem>>
    %dma_wait3A_333 = arith.constant 2944 : i32
    %dma_wait3A_334 = tpu.memref_slice %arg5[%dma_wait3A_333] : memref<4096xi32, #tpu.memory_space<vmem>> -> memref<56xi32, #tpu.memory_space<vmem>>
    %dma_wait3A_335 = arith.constant 0 : i32
    %dma_wait3A_336 = tpu.memref_slice %arg2[%dma_wait3A_335] : memref<1048576xf32, #tpu.memory_space<hbm>> -> memref<1048576xf32, #tpu.memory_space<hbm>>
    tpu.wait_indirect_dma semaphore(%arg7 : memref<!tpu.dma_semaphore, #tpu.memory_space<semaphore_mem>>) src(%dma_wait3A_336 : memref<1048576xf32, #tpu.memory_space<hbm>>) dst(%dma_wait3A_332 : memref<56xf32, #tpu.memory_space<vmem>>)
    %dma_wait3A_337 = arith.constant 3072 : i32
    %dma_wait3A_338 = tpu.memref_slice %arg6[%dma_wait3A_337] : memref<4096xf32, #tpu.memory_space<vmem>> -> memref<56xf32, #tpu.memory_space<vmem>>
    %dma_wait3A_339 = arith.constant 3072 : i32
    %dma_wait3A_340 = tpu.memref_slice %arg5[%dma_wait3A_339] : memref<4096xi32, #tpu.memory_space<vmem>> -> memref<56xi32, #tpu.memory_space<vmem>>
    %dma_wait3A_341 = arith.constant 0 : i32
    %dma_wait3A_342 = tpu.memref_slice %arg2[%dma_wait3A_341] : memref<1048576xf32, #tpu.memory_space<hbm>> -> memref<1048576xf32, #tpu.memory_space<hbm>>
    tpu.wait_indirect_dma semaphore(%arg7 : memref<!tpu.dma_semaphore, #tpu.memory_space<semaphore_mem>>) src(%dma_wait3A_342 : memref<1048576xf32, #tpu.memory_space<hbm>>) dst(%dma_wait3A_338 : memref<56xf32, #tpu.memory_space<vmem>>)
    %dma_wait3A_343 = arith.constant 3200 : i32
    %dma_wait3A_344 = tpu.memref_slice %arg6[%dma_wait3A_343] : memref<4096xf32, #tpu.memory_space<vmem>> -> memref<56xf32, #tpu.memory_space<vmem>>
    %dma_wait3A_345 = arith.constant 3200 : i32
    %dma_wait3A_346 = tpu.memref_slice %arg5[%dma_wait3A_345] : memref<4096xi32, #tpu.memory_space<vmem>> -> memref<56xi32, #tpu.memory_space<vmem>>
    %dma_wait3A_347 = arith.constant 0 : i32
    %dma_wait3A_348 = tpu.memref_slice %arg2[%dma_wait3A_347] : memref<1048576xf32, #tpu.memory_space<hbm>> -> memref<1048576xf32, #tpu.memory_space<hbm>>
    tpu.wait_indirect_dma semaphore(%arg7 : memref<!tpu.dma_semaphore, #tpu.memory_space<semaphore_mem>>) src(%dma_wait3A_348 : memref<1048576xf32, #tpu.memory_space<hbm>>) dst(%dma_wait3A_344 : memref<56xf32, #tpu.memory_space<vmem>>)
    %dma_wait3A_349 = arith.constant 3328 : i32
    %dma_wait3A_350 = tpu.memref_slice %arg6[%dma_wait3A_349] : memref<4096xf32, #tpu.memory_space<vmem>> -> memref<56xf32, #tpu.memory_space<vmem>>
    %dma_wait3A_351 = arith.constant 3328 : i32
    %dma_wait3A_352 = tpu.memref_slice %arg5[%dma_wait3A_351] : memref<4096xi32, #tpu.memory_space<vmem>> -> memref<56xi32, #tpu.memory_space<vmem>>
    %dma_wait3A_353 = arith.constant 0 : i32
    %dma_wait3A_354 = tpu.memref_slice %arg2[%dma_wait3A_353] : memref<1048576xf32, #tpu.memory_space<hbm>> -> memref<1048576xf32, #tpu.memory_space<hbm>>
    tpu.wait_indirect_dma semaphore(%arg7 : memref<!tpu.dma_semaphore, #tpu.memory_space<semaphore_mem>>) src(%dma_wait3A_354 : memref<1048576xf32, #tpu.memory_space<hbm>>) dst(%dma_wait3A_350 : memref<56xf32, #tpu.memory_space<vmem>>)
    %dma_wait3A_355 = arith.constant 3456 : i32
    %dma_wait3A_356 = tpu.memref_slice %arg6[%dma_wait3A_355] : memref<4096xf32, #tpu.memory_space<vmem>> -> memref<56xf32, #tpu.memory_space<vmem>>
    %dma_wait3A_357 = arith.constant 3456 : i32
    %dma_wait3A_358 = tpu.memref_slice %arg5[%dma_wait3A_357] : memref<4096xi32, #tpu.memory_space<vmem>> -> memref<56xi32, #tpu.memory_space<vmem>>
    %dma_wait3A_359 = arith.constant 0 : i32
    %dma_wait3A_360 = tpu.memref_slice %arg2[%dma_wait3A_359] : memref<1048576xf32, #tpu.memory_space<hbm>> -> memref<1048576xf32, #tpu.memory_space<hbm>>
    tpu.wait_indirect_dma semaphore(%arg7 : memref<!tpu.dma_semaphore, #tpu.memory_space<semaphore_mem>>) src(%dma_wait3A_360 : memref<1048576xf32, #tpu.memory_space<hbm>>) dst(%dma_wait3A_356 : memref<56xf32, #tpu.memory_space<vmem>>)
    %dma_wait3A_361 = arith.constant 3584 : i32
    %dma_wait3A_362 = tpu.memref_slice %arg6[%dma_wait3A_361] : memref<4096xf32, #tpu.memory_space<vmem>> -> memref<56xf32, #tpu.memory_space<vmem>>
    %dma_wait3A_363 = arith.constant 3584 : i32
    %dma_wait3A_364 = tpu.memref_slice %arg5[%dma_wait3A_363] : memref<4096xi32, #tpu.memory_space<vmem>> -> memref<56xi32, #tpu.memory_space<vmem>>
    %dma_wait3A_365 = arith.constant 0 : i32
    %dma_wait3A_366 = tpu.memref_slice %arg2[%dma_wait3A_365] : memref<1048576xf32, #tpu.memory_space<hbm>> -> memref<1048576xf32, #tpu.memory_space<hbm>>
    tpu.wait_indirect_dma semaphore(%arg7 : memref<!tpu.dma_semaphore, #tpu.memory_space<semaphore_mem>>) src(%dma_wait3A_366 : memref<1048576xf32, #tpu.memory_space<hbm>>) dst(%dma_wait3A_362 : memref<56xf32, #tpu.memory_space<vmem>>)
    %dma_wait3A_367 = arith.constant 3712 : i32
    %dma_wait3A_368 = tpu.memref_slice %arg6[%dma_wait3A_367] : memref<4096xf32, #tpu.memory_space<vmem>> -> memref<56xf32, #tpu.memory_space<vmem>>
    %dma_wait3A_369 = arith.constant 3712 : i32
    %dma_wait3A_370 = tpu.memref_slice %arg5[%dma_wait3A_369] : memref<4096xi32, #tpu.memory_space<vmem>> -> memref<56xi32, #tpu.memory_space<vmem>>
    %dma_wait3A_371 = arith.constant 0 : i32
    %dma_wait3A_372 = tpu.memref_slice %arg2[%dma_wait3A_371] : memref<1048576xf32, #tpu.memory_space<hbm>> -> memref<1048576xf32, #tpu.memory_space<hbm>>
    tpu.wait_indirect_dma semaphore(%arg7 : memref<!tpu.dma_semaphore, #tpu.memory_space<semaphore_mem>>) src(%dma_wait3A_372 : memref<1048576xf32, #tpu.memory_space<hbm>>) dst(%dma_wait3A_368 : memref<56xf32, #tpu.memory_space<vmem>>)
    %dma_wait3A_373 = arith.constant 3840 : i32
    %dma_wait3A_374 = tpu.memref_slice %arg6[%dma_wait3A_373] : memref<4096xf32, #tpu.memory_space<vmem>> -> memref<56xf32, #tpu.memory_space<vmem>>
    %dma_wait3A_375 = arith.constant 3840 : i32
    %dma_wait3A_376 = tpu.memref_slice %arg5[%dma_wait3A_375] : memref<4096xi32, #tpu.memory_space<vmem>> -> memref<56xi32, #tpu.memory_space<vmem>>
    %dma_wait3A_377 = arith.constant 0 : i32
    %dma_wait3A_378 = tpu.memref_slice %arg2[%dma_wait3A_377] : memref<1048576xf32, #tpu.memory_space<hbm>> -> memref<1048576xf32, #tpu.memory_space<hbm>>
    tpu.wait_indirect_dma semaphore(%arg7 : memref<!tpu.dma_semaphore, #tpu.memory_space<semaphore_mem>>) src(%dma_wait3A_378 : memref<1048576xf32, #tpu.memory_space<hbm>>) dst(%dma_wait3A_374 : memref<56xf32, #tpu.memory_space<vmem>>)
    %dma_wait3A_379 = arith.constant 3968 : i32
    %dma_wait3A_380 = tpu.memref_slice %arg6[%dma_wait3A_379] : memref<4096xf32, #tpu.memory_space<vmem>> -> memref<56xf32, #tpu.memory_space<vmem>>
    %dma_wait3A_381 = arith.constant 3968 : i32
    %dma_wait3A_382 = tpu.memref_slice %arg5[%dma_wait3A_381] : memref<4096xi32, #tpu.memory_space<vmem>> -> memref<56xi32, #tpu.memory_space<vmem>>
    %dma_wait3A_383 = arith.constant 0 : i32
    %dma_wait3A_384 = tpu.memref_slice %arg2[%dma_wait3A_383] : memref<1048576xf32, #tpu.memory_space<hbm>> -> memref<1048576xf32, #tpu.memory_space<hbm>>
    tpu.wait_indirect_dma semaphore(%arg7 : memref<!tpu.dma_semaphore, #tpu.memory_space<semaphore_mem>>) src(%dma_wait3A_384 : memref<1048576xf32, #tpu.memory_space<hbm>>) dst(%dma_wait3A_380 : memref<56xf32, #tpu.memory_space<vmem>>)
    "tpu.region"() ({
      %run_scoped3A = tpu.sem_alloc : memref<!tpu.dma_semaphore, #tpu.memory_space<semaphore_mem>>
      %dma_start3A_385 = tpu.memref_slice %arg4[%mul3A_2] : memref<131072xf32, #tpu.memory_space<hbm>> -> memref<4096xf32, #tpu.memory_space<hbm>>
      %dma_start3A_386 = tpu.memref_slice %arg4[%mul3A_2] : memref<131072xf32, #tpu.memory_space<hbm>> -> memref<4096xf32, #tpu.memory_space<hbm>>
      tpu.enqueue_dma source(%arg6 : memref<4096xf32, #tpu.memory_space<vmem>>) target(%dma_start3A_386 : memref<4096xf32, #tpu.memory_space<hbm>>) target_semaphore(%run_scoped3A : memref<!tpu.dma_semaphore, #tpu.memory_space<semaphore_mem>>)
      %dma_wait3A_387 = tpu.memref_slice %arg4[%mul3A_2] : memref<131072xf32, #tpu.memory_space<hbm>> -> memref<4096xf32, #tpu.memory_space<hbm>>
      %dma_wait3A_388 = tpu.memref_slice %arg4[%mul3A_2] : memref<131072xf32, #tpu.memory_space<hbm>> -> memref<4096xf32, #tpu.memory_space<hbm>>
      tpu.wait_dma2 semaphore(%run_scoped3A : memref<!tpu.dma_semaphore, #tpu.memory_space<semaphore_mem>>) src(%arg6 : memref<4096xf32, #tpu.memory_space<vmem>>) dst(%dma_wait3A_388 : memref<4096xf32, #tpu.memory_space<hbm>>)
      tpu.yield
    }) : () -> ()
    return
  }
}

module attributes {stable_mosaic.version = 14 : i64} {
  func.func @_loss_body(%arg0: memref<1024x128xf32, #tpu.memory_space<vmem>>, %arg1: memref<1x1xf32, #tpu.memory_space<vmem>>) attributes {dimension_semantics = [], scalar_prefetch = 0 : i64, scratch_operands = 0 : i64, tpu.core_type = #tpu.core_type<tc>} {
    %iota3A = tpu.iota {dimensions = array<i32: 1>} : vector<1024x128xi32>
    %lt3A = arith.constant 55 : i32
    %lt3A_0 = vector.broadcast %lt3A : i32 to vector<1024x128xi32>
    %lt3A_1 = arith.cmpi slt, %iota3A, %lt3A_0 : vector<1024x128xi32>
    %get3A = arith.constant 0 : index
    %get3A_2 = arith.constant 0 : index
    %get3A_3 = vector.load %arg0[%get3A, %get3A_2] : memref<1024x128xf32, #tpu.memory_space<vmem>>, vector<1024x128xf32>
    %mul3A = arith.constant 1.000000e+01 : f32
    %mul3A_4 = vector.broadcast %mul3A : f32 to vector<1024x128xf32>
    %mul3A_5 = arith.mulf %get3A_3, %mul3A_4 : vector<1024x128xf32>
    %jit3A = arith.constant 0.000000e+00 : f32
    %broadcast_in_dim3A = vector.broadcast %jit3A : f32 to vector<1024x128xf32>
    %select_n3A = arith.select %lt3A_1, %mul3A_5, %broadcast_in_dim3A : vector<1024x128xi1>, vector<1024x128xf32>
    %exp3A = math.exp %select_n3A : vector<1024x128xf32>
    %iota3A_6 = tpu.iota {dimensions = array<i32: 0>} : vector<128x5xi32>
    %iota3A_7 = tpu.iota {dimensions = array<i32: 1>} : vector<128x5xi32>
    %mul3A_8 = arith.constant 11 : i32
    %mul3A_9 = vector.broadcast %mul3A_8 : i32 to vector<128x5xi32>
    %mul3A_10 = arith.muli %iota3A_7, %mul3A_9 : vector<128x5xi32>
    %ge3A = arith.cmpi sge, %iota3A_6, %mul3A_10 : vector<128x5xi32>
    %add3A = arith.constant 11 : i32
    %add3A_11 = vector.broadcast %add3A : i32 to vector<128x5xi32>
    %add3A_12 = arith.addi %mul3A_10, %add3A_11 : vector<128x5xi32>
    %lt3A_13 = arith.cmpi slt, %iota3A_6, %add3A_12 : vector<128x5xi32>
    %and3A = arith.andi %ge3A, %lt3A_13 : vector<128x5xi1>
    %convert_element_type3A = arith.extui %and3A : vector<128x5xi1> to vector<128x5xi32>
    %convert_element_type3A_14 = arith.sitofp %convert_element_type3A : vector<128x5xi32> to vector<128x5xf32>
    %eq3A = arith.cmpi eq, %iota3A_6, %mul3A_10 : vector<128x5xi32>
    %convert_element_type3A_15 = arith.extui %eq3A : vector<128x5xi1> to vector<128x5xi32>
    %convert_element_type3A_16 = arith.sitofp %convert_element_type3A_15 : vector<128x5xi32> to vector<128x5xf32>
    %dot_general3A = arith.constant dense<0.000000e+00> : vector<1024x5xf32>
    %dot_general3A_17 = tpu.matmul %exp3A, %convert_element_type3A_14, %dot_general3A {dimension_numbers = #tpu.dot_dimension_numbers<[1], [0], [0], [1], [0, 0, 1, 1], [], []>, precision = #tpu.contract_precision<fp32>, transpose_lhs_hint = false} : vector<1024x128xf32>, vector<128x5xf32>, vector<1024x5xf32> -> vector<1024x5xf32>
    %dot_general3A_18 = arith.constant dense<0.000000e+00> : vector<1024x5xf32>
    %dot_general3A_19 = tpu.matmul %select_n3A, %convert_element_type3A_16, %dot_general3A_18 {dimension_numbers = #tpu.dot_dimension_numbers<[1], [0], [0], [1], [0, 0, 1, 1], [], []>, precision = #tpu.contract_precision<fp32>, transpose_lhs_hint = false} : vector<1024x128xf32>, vector<128x5xf32>, vector<1024x5xf32> -> vector<1024x5xf32>
    %log3A = math.log %dot_general3A_17 : vector<1024x5xf32>
    %sub3A = arith.subf %log3A, %dot_general3A_19 : vector<1024x5xf32>
    %reduce_sum3A = vector.shape_cast %sub3A : vector<1024x5xf32> to vector<1x1024x5xf32>
    %reduce_sum3A_20 = arith.constant dense<0.000000e+00> : vector<1xf32>
    %reduce_sum3A_21 = vector.multi_reduction <add>, %reduce_sum3A, %reduce_sum3A_20 [1, 2] : vector<1x1024x5xf32> to vector<1xf32>
    %reduce_sum3A_22 = vector.shape_cast %reduce_sum3A_21 : vector<1xf32> to vector<1x1x1xf32>
    %reduce_sum3A_23 = vector.extract %reduce_sum3A_22[0, 0, 0] : f32 from vector<1x1x1xf32>
    %broadcast_in_dim3A_24 = vector.broadcast %reduce_sum3A_23 : f32 to vector<1x1xf32>
    %div3A = arith.constant 5.120000e+03 : f32
    %div3A_25 = vector.broadcast %div3A : f32 to vector<1x1xf32>
    %div3A_26 = arith.divf %broadcast_in_dim3A_24, %div3A_25 : vector<1x1xf32>
    %swap3A = arith.constant 0 : index
    %swap3A_27 = arith.constant 0 : index
    %swap3A_28 = vector.load %arg1[%swap3A, %swap3A_27] : memref<1x1xf32, #tpu.memory_space<vmem>>, vector<1x1xf32>
    tpu.vector_store %arg1[%swap3A, %swap3A_27], %div3A_26 {strides = array<i32>} : memref<1x1xf32, #tpu.memory_space<vmem>>, vector<1x1xf32>,
    return
  }
}

module attributes {stable_mosaic.version = 14 : i64} {
  func.func @_phase1_body(%arg0: memref<1024x512xf32, #tpu.memory_space<vmem>>, %arg1: memref<1024x512xf32, #tpu.memory_space<vmem>>, %arg2: memref<8192x128xf32, #tpu.memory_space<vmem>>, %arg3: memref<1024x128xi32, #tpu.memory_space<vmem>>) attributes {dimension_semantics = [], scalar_prefetch = 0 : i64, scratch_operands = 0 : i64, tpu.core_type = #tpu.core_type<tc>} {
    %get3A = arith.constant 0 : index
    %get3A_0 = arith.constant 0 : index
    %get3A_1 = vector.load %arg0[%get3A, %get3A_0] : memref<1024x512xf32, #tpu.memory_space<vmem>>, vector<1024x512xf32>
    %mul3A = arith.mulf %get3A_1, %get3A_1 : vector<1024x512xf32>
    %reduce_sum3A = arith.constant dense<0.000000e+00> : vector<1024xf32>
    %reduce_sum3A_2 = vector.multi_reduction <add>, %mul3A, %reduce_sum3A [1] : vector<1024x512xf32> to vector<1024xf32>
    %broadcast_in_dim3A = vector.shape_cast %reduce_sum3A_2 : vector<1024xf32> to vector<1024x1xf32>
    %sqrt3A = math.sqrt %broadcast_in_dim3A : vector<1024x1xf32>
    %max3A = arith.constant 9.99999996E-13 : f32
    %max3A_3 = vector.broadcast %max3A : f32 to vector<1024x1xf32>
    %max3A_4 = arith.maximumf %sqrt3A, %max3A_3 : vector<1024x1xf32>
    %div3A = vector.broadcast %max3A_4 : vector<1024x1xf32> to vector<1024x512xf32>
    %div3A_5 = arith.divf %get3A_1, %div3A : vector<1024x512xf32>
    %dot_general3A = arith.constant dense<0.000000e+00> : vector<1024x1024xf32>
    %dot_general3A_6 = tpu.matmul %div3A_5, %div3A_5, %dot_general3A {dimension_numbers = #tpu.dot_dimension_numbers<[1], [1], [0], [0], [0, 0, 1, 0], [], []>, transpose_lhs_hint = false} : vector<1024x512xf32>, vector<1024x512xf32>, vector<1024x1024xf32> -> vector<1024x1024xf32>
    %get3A_7 = arith.constant 0 : index
    %get3A_8 = arith.constant 0 : index
    %get3A_9 = vector.load %arg1[%get3A_7, %get3A_8] : memref<1024x512xf32, #tpu.memory_space<vmem>>, vector<1024x512xf32>
    %mul3A_10 = arith.mulf %get3A_9, %get3A_9 : vector<1024x512xf32>
    %reduce_sum3A_11 = arith.constant dense<0.000000e+00> : vector<1024xf32>
    %reduce_sum3A_12 = vector.multi_reduction <add>, %mul3A_10, %reduce_sum3A_11 [1] : vector<1024x512xf32> to vector<1024xf32>
    %broadcast_in_dim3A_13 = vector.shape_cast %reduce_sum3A_12 : vector<1024xf32> to vector<1024x1xf32>
    %sqrt3A_14 = math.sqrt %broadcast_in_dim3A_13 : vector<1024x1xf32>
    %max3A_15 = arith.constant 9.99999996E-13 : f32
    %max3A_16 = vector.broadcast %max3A_15 : f32 to vector<1024x1xf32>
    %max3A_17 = arith.maximumf %sqrt3A_14, %max3A_16 : vector<1024x1xf32>
    %div3A_18 = vector.broadcast %max3A_17 : vector<1024x1xf32> to vector<1024x512xf32>
    %div3A_19 = arith.divf %get3A_9, %div3A_18 : vector<1024x512xf32>
    %dot_general3A_20 = arith.constant dense<0.000000e+00> : vector<1024x1024xf32>
    %dot_general3A_21 = tpu.matmul %div3A_19, %div3A_19, %dot_general3A_20 {dimension_numbers = #tpu.dot_dimension_numbers<[1], [1], [0], [0], [0, 0, 1, 0], [], []>, transpose_lhs_hint = false} : vector<1024x512xf32>, vector<1024x512xf32>, vector<1024x1024xf32> -> vector<1024x1024xf32>
    %reshape3A = vector.shape_cast %dot_general3A_21 : vector<1024x1024xf32> to vector<8192x128xf32>
    %swap3A = arith.constant 0 : index
    %swap3A_22 = arith.constant 0 : index
    %swap3A_23 = vector.load %arg2[%swap3A, %swap3A_22] : memref<8192x128xf32, #tpu.memory_space<vmem>>, vector<8192x128xf32>
    tpu.vector_store %arg2[%swap3A, %swap3A_22], %reshape3A {strides = array<i32>} : memref<8192x128xf32, #tpu.memory_space<vmem>>, vector<8192x128xf32>,
    %iota3A = tpu.iota {dimensions = array<i32: 1>} : vector<1024x1024xi32>
    %iota3A_24 = tpu.iota {dimensions = array<i32: 0>} : vector<1024x1xi32>
    %sub3A = arith.constant 1023 : i32
    %sub3A_25 = vector.broadcast %sub3A : i32 to vector<1024x1024xi32>
    %sub3A_26 = arith.subi %sub3A_25, %iota3A : vector<1024x1024xi32>
    %bitcast_convert_type3A = tpu.bitcast %dot_general3A_6 : vector<1024x1024xf32> -> vector<1024x1024xi32>
    %and3A = arith.constant -65536 : i32
    %and3A_27 = vector.broadcast %and3A : i32 to vector<1024x1024xi32>
    %and3A_28 = arith.andi %bitcast_convert_type3A, %and3A_27 : vector<1024x1024xi32>
    %lt3A = arith.constant 0 : i32
    %lt3A_29 = vector.broadcast %lt3A : i32 to vector<1024x1024xi32>
    %lt3A_30 = arith.cmpi slt, %and3A_28, %lt3A_29 : vector<1024x1024xi32>
    %xor3A = arith.constant 2147483647 : i32
    %xor3A_31 = vector.broadcast %xor3A : i32 to vector<1024x1024xi32>
    %xor3A_32 = arith.xori %and3A_28, %xor3A_31 : vector<1024x1024xi32>
    %select_n3A = arith.select %lt3A_30, %xor3A_32, %and3A_28 : vector<1024x1024xi1>, vector<1024x1024xi32>
    %and3A_33 = arith.constant -65536 : i32
    %and3A_34 = vector.broadcast %and3A_33 : i32 to vector<1024x1024xi32>
    %and3A_35 = arith.andi %select_n3A, %and3A_34 : vector<1024x1024xi32>
    %or3A = arith.ori %and3A_35, %sub3A_26 : vector<1024x1024xi32>
    %xor3A_36 = arith.constant -65536 : i32
    %xor3A_37 = vector.broadcast %xor3A_36 : i32 to vector<1024x1024xi32>
    %xor3A_38 = arith.xori %and3A_35, %xor3A_37 : vector<1024x1024xi32>
    %or3A_39 = arith.ori %xor3A_38, %sub3A_26 : vector<1024x1024xi32>
    %slice3A = vector.extract_strided_slice %or3A {offsets = [0, 0], sizes = [1024, 512], strides = [1, 1]} : vector<1024x1024xi32> to vector<1024x512xi32>
    %slice3A_40 = vector.extract_strided_slice %or3A {offsets = [0, 512], sizes = [1024, 512], strides = [1, 1]} : vector<1024x1024xi32> to vector<1024x512xi32>
    %max3A_41 = arith.maxsi %slice3A, %slice3A_40 : vector<1024x512xi32>
    %slice3A_42 = vector.extract_strided_slice %or3A {offsets = [0, 0], sizes = [1024, 512], strides = [1, 1]} : vector<1024x1024xi32> to vector<1024x512xi32>
    %slice3A_43 = vector.extract_strided_slice %or3A {offsets = [0, 512], sizes = [1024, 512], strides = [1, 1]} : vector<1024x1024xi32> to vector<1024x512xi32>
    %min3A = arith.minsi %slice3A_42, %slice3A_43 : vector<1024x512xi32>
    %reduce_max3A = arith.constant dense<-2147483648> : vector<1024xi32>
    %reduce_max3A_44 = vector.multi_reduction <maxsi>, %max3A_41, %reduce_max3A [1] : vector<1024x512xi32> to vector<1024xi32>
    %broadcast_in_dim3A_45 = vector.shape_cast %reduce_max3A_44 : vector<1024xi32> to vector<1024x1xi32>
    %and3A_46 = arith.constant 1023 : i32
    %and3A_47 = vector.broadcast %and3A_46 : i32 to vector<1024x1xi32>
    %and3A_48 = arith.andi %broadcast_in_dim3A_45, %and3A_47 : vector<1024x1xi32>
    %sub3A_49 = arith.constant 1023 : i32
    %sub3A_50 = vector.broadcast %sub3A_49 : i32 to vector<1024x1xi32>
    %sub3A_51 = arith.subi %sub3A_50, %and3A_48 : vector<1024x1xi32>
    %eq3A = vector.broadcast %broadcast_in_dim3A_45 : vector<1024x1xi32> to vector<1024x512xi32>
    %eq3A_52 = arith.cmpi eq, %max3A_41, %eq3A : vector<1024x512xi32>
    %select_n3A_53 = arith.select %eq3A_52, %min3A, %max3A_41 : vector<1024x512xi1>, vector<1024x512xi32>
    %jit3A = arith.constant -2147483648 : i32
    %broadcast_in_dim3A_54 = vector.broadcast %jit3A : i32 to vector<1024x512xi32>
    %select_n3A_55 = arith.select %eq3A_52, %broadcast_in_dim3A_54, %min3A : vector<1024x512xi1>, vector<1024x512xi32>
    %reduce_max3A_56 = arith.constant dense<-2147483648> : vector<1024xi32>
    %reduce_max3A_57 = vector.multi_reduction <maxsi>, %select_n3A_53, %reduce_max3A_56 [1] : vector<1024x512xi32> to vector<1024xi32>
    %broadcast_in_dim3A_58 = vector.shape_cast %reduce_max3A_57 : vector<1024xi32> to vector<1024x1xi32>
    %and3A_59 = arith.constant 1023 : i32
    %and3A_60 = vector.broadcast %and3A_59 : i32 to vector<1024x1xi32>
    %and3A_61 = arith.andi %broadcast_in_dim3A_58, %and3A_60 : vector<1024x1xi32>
    %sub3A_62 = arith.constant 1023 : i32
    %sub3A_63 = vector.broadcast %sub3A_62 : i32 to vector<1024x1xi32>
    %sub3A_64 = arith.subi %sub3A_63, %and3A_61 : vector<1024x1xi32>
    %eq3A_65 = vector.broadcast %broadcast_in_dim3A_58 : vector<1024x1xi32> to vector<1024x512xi32>
    %eq3A_66 = arith.cmpi eq, %select_n3A_53, %eq3A_65 : vector<1024x512xi32>
    %select_n3A_67 = arith.select %eq3A_66, %select_n3A_55, %select_n3A_53 : vector<1024x512xi1>, vector<1024x512xi32>
    %jit3A_68 = arith.constant -2147483648 : i32
    %broadcast_in_dim3A_69 = vector.broadcast %jit3A_68 : i32 to vector<1024x512xi32>
    %select_n3A_70 = arith.select %eq3A_66, %broadcast_in_dim3A_69, %select_n3A_55 : vector<1024x512xi1>, vector<1024x512xi32>
    %reduce_max3A_71 = arith.constant dense<-2147483648> : vector<1024xi32>
    %reduce_max3A_72 = vector.multi_reduction <maxsi>, %select_n3A_67, %reduce_max3A_71 [1] : vector<1024x512xi32> to vector<1024xi32>
    %broadcast_in_dim3A_73 = vector.shape_cast %reduce_max3A_72 : vector<1024xi32> to vector<1024x1xi32>
    %and3A_74 = arith.constant 1023 : i32
    %and3A_75 = vector.broadcast %and3A_74 : i32 to vector<1024x1xi32>
    %and3A_76 = arith.andi %broadcast_in_dim3A_73, %and3A_75 : vector<1024x1xi32>
    %sub3A_77 = arith.constant 1023 : i32
    %sub3A_78 = vector.broadcast %sub3A_77 : i32 to vector<1024x1xi32>
    %sub3A_79 = arith.subi %sub3A_78, %and3A_76 : vector<1024x1xi32>
    %eq3A_80 = vector.broadcast %broadcast_in_dim3A_73 : vector<1024x1xi32> to vector<1024x512xi32>
    %eq3A_81 = arith.cmpi eq, %select_n3A_67, %eq3A_80 : vector<1024x512xi32>
    %select_n3A_82 = arith.select %eq3A_81, %select_n3A_70, %select_n3A_67 : vector<1024x512xi1>, vector<1024x512xi32>
    %jit3A_83 = arith.constant -2147483648 : i32
    %broadcast_in_dim3A_84 = vector.broadcast %jit3A_83 : i32 to vector<1024x512xi32>
    %select_n3A_85 = arith.select %eq3A_81, %broadcast_in_dim3A_84, %select_n3A_70 : vector<1024x512xi1>, vector<1024x512xi32>
    %reduce_max3A_86 = arith.constant dense<-2147483648> : vector<1024xi32>
    %reduce_max3A_87 = vector.multi_reduction <maxsi>, %select_n3A_82, %reduce_max3A_86 [1] : vector<1024x512xi32> to vector<1024xi32>
    %broadcast_in_dim3A_88 = vector.shape_cast %reduce_max3A_87 : vector<1024xi32> to vector<1024x1xi32>
    %and3A_89 = arith.constant 1023 : i32
    %and3A_90 = vector.broadcast %and3A_89 : i32 to vector<1024x1xi32>
    %and3A_91 = arith.andi %broadcast_in_dim3A_88, %and3A_90 : vector<1024x1xi32>
    %sub3A_92 = arith.constant 1023 : i32
    %sub3A_93 = vector.broadcast %sub3A_92 : i32 to vector<1024x1xi32>
    %sub3A_94 = arith.subi %sub3A_93, %and3A_91 : vector<1024x1xi32>
    %eq3A_95 = vector.broadcast %broadcast_in_dim3A_88 : vector<1024x1xi32> to vector<1024x512xi32>
    %eq3A_96 = arith.cmpi eq, %select_n3A_82, %eq3A_95 : vector<1024x512xi32>
    %select_n3A_97 = arith.select %eq3A_96, %select_n3A_85, %select_n3A_82 : vector<1024x512xi1>, vector<1024x512xi32>
    %reduce_max3A_98 = arith.constant dense<-2147483648> : vector<1024xi32>
    %reduce_max3A_99 = vector.multi_reduction <maxsi>, %select_n3A_97, %reduce_max3A_98 [1] : vector<1024x512xi32> to vector<1024xi32>
    %broadcast_in_dim3A_100 = vector.shape_cast %reduce_max3A_99 : vector<1024xi32> to vector<1024x1xi32>
    %and3A_101 = arith.constant 1023 : i32
    %and3A_102 = vector.broadcast %and3A_101 : i32 to vector<1024x1xi32>
    %and3A_103 = arith.andi %broadcast_in_dim3A_100, %and3A_102 : vector<1024x1xi32>
    %sub3A_104 = arith.constant 1023 : i32
    %sub3A_105 = vector.broadcast %sub3A_104 : i32 to vector<1024x1xi32>
    %sub3A_106 = arith.subi %sub3A_105, %and3A_103 : vector<1024x1xi32>
    %slice3A_107 = vector.extract_strided_slice %or3A_39 {offsets = [0, 0], sizes = [1024, 512], strides = [1, 1]} : vector<1024x1024xi32> to vector<1024x512xi32>
    %slice3A_108 = vector.extract_strided_slice %or3A_39 {offsets = [0, 512], sizes = [1024, 512], strides = [1, 1]} : vector<1024x1024xi32> to vector<1024x512xi32>
    %max3A_109 = arith.maxsi %slice3A_107, %slice3A_108 : vector<1024x512xi32>
    %slice3A_110 = vector.extract_strided_slice %or3A_39 {offsets = [0, 0], sizes = [1024, 512], strides = [1, 1]} : vector<1024x1024xi32> to vector<1024x512xi32>
    %slice3A_111 = vector.extract_strided_slice %or3A_39 {offsets = [0, 512], sizes = [1024, 512], strides = [1, 1]} : vector<1024x1024xi32> to vector<1024x512xi32>
    %min3A_112 = arith.minsi %slice3A_110, %slice3A_111 : vector<1024x512xi32>
    %reduce_max3A_113 = arith.constant dense<-2147483648> : vector<1024xi32>
    %reduce_max3A_114 = vector.multi_reduction <maxsi>, %max3A_109, %reduce_max3A_113 [1] : vector<1024x512xi32> to vector<1024xi32>
    %broadcast_in_dim3A_115 = vector.shape_cast %reduce_max3A_114 : vector<1024xi32> to vector<1024x1xi32>
    %and3A_116 = arith.constant 1023 : i32
    %and3A_117 = vector.broadcast %and3A_116 : i32 to vector<1024x1xi32>
    %and3A_118 = arith.andi %broadcast_in_dim3A_115, %and3A_117 : vector<1024x1xi32>
    %sub3A_119 = arith.constant 1023 : i32
    %sub3A_120 = vector.broadcast %sub3A_119 : i32 to vector<1024x1xi32>
    %sub3A_121 = arith.subi %sub3A_120, %and3A_118 : vector<1024x1xi32>
    %eq3A_122 = vector.broadcast %broadcast_in_dim3A_115 : vector<1024x1xi32> to vector<1024x512xi32>
    %eq3A_123 = arith.cmpi eq, %max3A_109, %eq3A_122 : vector<1024x512xi32>
    %select_n3A_124 = arith.select %eq3A_123, %min3A_112, %max3A_109 : vector<1024x512xi1>, vector<1024x512xi32>
    %jit3A_125 = arith.constant -2147483648 : i32
    %broadcast_in_dim3A_126 = vector.broadcast %jit3A_125 : i32 to vector<1024x512xi32>
    %select_n3A_127 = arith.select %eq3A_123, %broadcast_in_dim3A_126, %min3A_112 : vector<1024x512xi1>, vector<1024x512xi32>
    %reduce_max3A_128 = arith.constant dense<-2147483648> : vector<1024xi32>
    %reduce_max3A_129 = vector.multi_reduction <maxsi>, %select_n3A_124, %reduce_max3A_128 [1] : vector<1024x512xi32> to vector<1024xi32>
    %broadcast_in_dim3A_130 = vector.shape_cast %reduce_max3A_129 : vector<1024xi32> to vector<1024x1xi32>
    %and3A_131 = arith.constant 1023 : i32
    %and3A_132 = vector.broadcast %and3A_131 : i32 to vector<1024x1xi32>
    %and3A_133 = arith.andi %broadcast_in_dim3A_130, %and3A_132 : vector<1024x1xi32>
    %sub3A_134 = arith.constant 1023 : i32
    %sub3A_135 = vector.broadcast %sub3A_134 : i32 to vector<1024x1xi32>
    %sub3A_136 = arith.subi %sub3A_135, %and3A_133 : vector<1024x1xi32>
    %eq3A_137 = vector.broadcast %broadcast_in_dim3A_130 : vector<1024x1xi32> to vector<1024x512xi32>
    %eq3A_138 = arith.cmpi eq, %select_n3A_124, %eq3A_137 : vector<1024x512xi32>
    %select_n3A_139 = arith.select %eq3A_138, %select_n3A_127, %select_n3A_124 : vector<1024x512xi1>, vector<1024x512xi32>
    %jit3A_140 = arith.constant -2147483648 : i32
    %broadcast_in_dim3A_141 = vector.broadcast %jit3A_140 : i32 to vector<1024x512xi32>
    %select_n3A_142 = arith.select %eq3A_138, %broadcast_in_dim3A_141, %select_n3A_127 : vector<1024x512xi1>, vector<1024x512xi32>
    %reduce_max3A_143 = arith.constant dense<-2147483648> : vector<1024xi32>
    %reduce_max3A_144 = vector.multi_reduction <maxsi>, %select_n3A_139, %reduce_max3A_143 [1] : vector<1024x512xi32> to vector<1024xi32>
    %broadcast_in_dim3A_145 = vector.shape_cast %reduce_max3A_144 : vector<1024xi32> to vector<1024x1xi32>
    %and3A_146 = arith.constant 1023 : i32
    %and3A_147 = vector.broadcast %and3A_146 : i32 to vector<1024x1xi32>
    %and3A_148 = arith.andi %broadcast_in_dim3A_145, %and3A_147 : vector<1024x1xi32>
    %sub3A_149 = arith.constant 1023 : i32
    %sub3A_150 = vector.broadcast %sub3A_149 : i32 to vector<1024x1xi32>
    %sub3A_151 = arith.subi %sub3A_150, %and3A_148 : vector<1024x1xi32>
    %eq3A_152 = vector.broadcast %broadcast_in_dim3A_145 : vector<1024x1xi32> to vector<1024x512xi32>
    %eq3A_153 = arith.cmpi eq, %select_n3A_139, %eq3A_152 : vector<1024x512xi32>
    %select_n3A_154 = arith.select %eq3A_153, %select_n3A_142, %select_n3A_139 : vector<1024x512xi1>, vector<1024x512xi32>
    %jit3A_155 = arith.constant -2147483648 : i32
    %broadcast_in_dim3A_156 = vector.broadcast %jit3A_155 : i32 to vector<1024x512xi32>
    %select_n3A_157 = arith.select %eq3A_153, %broadcast_in_dim3A_156, %select_n3A_142 : vector<1024x512xi1>, vector<1024x512xi32>
    %reduce_max3A_158 = arith.constant dense<-2147483648> : vector<1024xi32>
    %reduce_max3A_159 = vector.multi_reduction <maxsi>, %select_n3A_154, %reduce_max3A_158 [1] : vector<1024x512xi32> to vector<1024xi32>
    %broadcast_in_dim3A_160 = vector.shape_cast %reduce_max3A_159 : vector<1024xi32> to vector<1024x1xi32>
    %and3A_161 = arith.constant 1023 : i32
    %and3A_162 = vector.broadcast %and3A_161 : i32 to vector<1024x1xi32>
    %and3A_163 = arith.andi %broadcast_in_dim3A_160, %and3A_162 : vector<1024x1xi32>
    %sub3A_164 = arith.constant 1023 : i32
    %sub3A_165 = vector.broadcast %sub3A_164 : i32 to vector<1024x1xi32>
    %sub3A_166 = arith.subi %sub3A_165, %and3A_163 : vector<1024x1xi32>
    %eq3A_167 = vector.broadcast %broadcast_in_dim3A_160 : vector<1024x1xi32> to vector<1024x512xi32>
    %eq3A_168 = arith.cmpi eq, %select_n3A_154, %eq3A_167 : vector<1024x512xi32>
    %select_n3A_169 = arith.select %eq3A_168, %select_n3A_157, %select_n3A_154 : vector<1024x512xi1>, vector<1024x512xi32>
    %jit3A_170 = arith.constant -2147483648 : i32
    %broadcast_in_dim3A_171 = vector.broadcast %jit3A_170 : i32 to vector<1024x512xi32>
    %select_n3A_172 = arith.select %eq3A_168, %broadcast_in_dim3A_171, %select_n3A_157 : vector<1024x512xi1>, vector<1024x512xi32>
    %reduce_max3A_173 = arith.constant dense<-2147483648> : vector<1024xi32>
    %reduce_max3A_174 = vector.multi_reduction <maxsi>, %select_n3A_169, %reduce_max3A_173 [1] : vector<1024x512xi32> to vector<1024xi32>
    %broadcast_in_dim3A_175 = vector.shape_cast %reduce_max3A_174 : vector<1024xi32> to vector<1024x1xi32>
    %and3A_176 = arith.constant 1023 : i32
    %and3A_177 = vector.broadcast %and3A_176 : i32 to vector<1024x1xi32>
    %and3A_178 = arith.andi %broadcast_in_dim3A_175, %and3A_177 : vector<1024x1xi32>
    %sub3A_179 = arith.constant 1023 : i32
    %sub3A_180 = vector.broadcast %sub3A_179 : i32 to vector<1024x1xi32>
    %sub3A_181 = arith.subi %sub3A_180, %and3A_178 : vector<1024x1xi32>
    %eq3A_182 = vector.broadcast %broadcast_in_dim3A_175 : vector<1024x1xi32> to vector<1024x512xi32>
    %eq3A_183 = arith.cmpi eq, %select_n3A_169, %eq3A_182 : vector<1024x512xi32>
    %select_n3A_184 = arith.select %eq3A_183, %select_n3A_172, %select_n3A_169 : vector<1024x512xi1>, vector<1024x512xi32>
    %jit3A_185 = arith.constant -2147483648 : i32
    %broadcast_in_dim3A_186 = vector.broadcast %jit3A_185 : i32 to vector<1024x512xi32>
    %select_n3A_187 = arith.select %eq3A_183, %broadcast_in_dim3A_186, %select_n3A_172 : vector<1024x512xi1>, vector<1024x512xi32>
    %reduce_max3A_188 = arith.constant dense<-2147483648> : vector<1024xi32>
    %reduce_max3A_189 = vector.multi_reduction <maxsi>, %select_n3A_184, %reduce_max3A_188 [1] : vector<1024x512xi32> to vector<1024xi32>
    %broadcast_in_dim3A_190 = vector.shape_cast %reduce_max3A_189 : vector<1024xi32> to vector<1024x1xi32>
    %and3A_191 = arith.constant 1023 : i32
    %and3A_192 = vector.broadcast %and3A_191 : i32 to vector<1024x1xi32>
    %and3A_193 = arith.andi %broadcast_in_dim3A_190, %and3A_192 : vector<1024x1xi32>
    %sub3A_194 = arith.constant 1023 : i32
    %sub3A_195 = vector.broadcast %sub3A_194 : i32 to vector<1024x1xi32>
    %sub3A_196 = arith.subi %sub3A_195, %and3A_193 : vector<1024x1xi32>
    %eq3A_197 = vector.broadcast %broadcast_in_dim3A_190 : vector<1024x1xi32> to vector<1024x512xi32>
    %eq3A_198 = arith.cmpi eq, %select_n3A_184, %eq3A_197 : vector<1024x512xi32>
    %select_n3A_199 = arith.select %eq3A_198, %select_n3A_187, %select_n3A_184 : vector<1024x512xi1>, vector<1024x512xi32>
    %jit3A_200 = arith.constant -2147483648 : i32
    %broadcast_in_dim3A_201 = vector.broadcast %jit3A_200 : i32 to vector<1024x512xi32>
    %select_n3A_202 = arith.select %eq3A_198, %broadcast_in_dim3A_201, %select_n3A_187 : vector<1024x512xi1>, vector<1024x512xi32>
    %reduce_max3A_203 = arith.constant dense<-2147483648> : vector<1024xi32>
    %reduce_max3A_204 = vector.multi_reduction <maxsi>, %select_n3A_199, %reduce_max3A_203 [1] : vector<1024x512xi32> to vector<1024xi32>
    %broadcast_in_dim3A_205 = vector.shape_cast %reduce_max3A_204 : vector<1024xi32> to vector<1024x1xi32>
    %and3A_206 = arith.constant 1023 : i32
    %and3A_207 = vector.broadcast %and3A_206 : i32 to vector<1024x1xi32>
    %and3A_208 = arith.andi %broadcast_in_dim3A_205, %and3A_207 : vector<1024x1xi32>
    %sub3A_209 = arith.constant 1023 : i32
    %sub3A_210 = vector.broadcast %sub3A_209 : i32 to vector<1024x1xi32>
    %sub3A_211 = arith.subi %sub3A_210, %and3A_208 : vector<1024x1xi32>
    %eq3A_212 = vector.broadcast %broadcast_in_dim3A_205 : vector<1024x1xi32> to vector<1024x512xi32>
    %eq3A_213 = arith.cmpi eq, %select_n3A_199, %eq3A_212 : vector<1024x512xi32>
    %select_n3A_214 = arith.select %eq3A_213, %select_n3A_202, %select_n3A_199 : vector<1024x512xi1>, vector<1024x512xi32>
    %jit3A_215 = arith.constant -2147483648 : i32
    %broadcast_in_dim3A_216 = vector.broadcast %jit3A_215 : i32 to vector<1024x512xi32>
    %select_n3A_217 = arith.select %eq3A_213, %broadcast_in_dim3A_216, %select_n3A_202 : vector<1024x512xi1>, vector<1024x512xi32>
    %reduce_max3A_218 = arith.constant dense<-2147483648> : vector<1024xi32>
    %reduce_max3A_219 = vector.multi_reduction <maxsi>, %select_n3A_214, %reduce_max3A_218 [1] : vector<1024x512xi32> to vector<1024xi32>
    %broadcast_in_dim3A_220 = vector.shape_cast %reduce_max3A_219 : vector<1024xi32> to vector<1024x1xi32>
    %and3A_221 = arith.constant 1023 : i32
    %and3A_222 = vector.broadcast %and3A_221 : i32 to vector<1024x1xi32>
    %and3A_223 = arith.andi %broadcast_in_dim3A_220, %and3A_222 : vector<1024x1xi32>
    %sub3A_224 = arith.constant 1023 : i32
    %sub3A_225 = vector.broadcast %sub3A_224 : i32 to vector<1024x1xi32>
    %sub3A_226 = arith.subi %sub3A_225, %and3A_223 : vector<1024x1xi32>
    %eq3A_227 = vector.broadcast %broadcast_in_dim3A_220 : vector<1024x1xi32> to vector<1024x512xi32>
    %eq3A_228 = arith.cmpi eq, %select_n3A_214, %eq3A_227 : vector<1024x512xi32>
    %select_n3A_229 = arith.select %eq3A_228, %select_n3A_217, %select_n3A_214 : vector<1024x512xi1>, vector<1024x512xi32>
    %jit3A_230 = arith.constant -2147483648 : i32
    %broadcast_in_dim3A_231 = vector.broadcast %jit3A_230 : i32 to vector<1024x512xi32>
    %select_n3A_232 = arith.select %eq3A_228, %broadcast_in_dim3A_231, %select_n3A_217 : vector<1024x512xi1>, vector<1024x512xi32>
    %reduce_max3A_233 = arith.constant dense<-2147483648> : vector<1024xi32>
    %reduce_max3A_234 = vector.multi_reduction <maxsi>, %select_n3A_229, %reduce_max3A_233 [1] : vector<1024x512xi32> to vector<1024xi32>
    %broadcast_in_dim3A_235 = vector.shape_cast %reduce_max3A_234 : vector<1024xi32> to vector<1024x1xi32>
    %and3A_236 = arith.constant 1023 : i32
    %and3A_237 = vector.broadcast %and3A_236 : i32 to vector<1024x1xi32>
    %and3A_238 = arith.andi %broadcast_in_dim3A_235, %and3A_237 : vector<1024x1xi32>
    %sub3A_239 = arith.constant 1023 : i32
    %sub3A_240 = vector.broadcast %sub3A_239 : i32 to vector<1024x1xi32>
    %sub3A_241 = arith.subi %sub3A_240, %and3A_238 : vector<1024x1xi32>
    %eq3A_242 = vector.broadcast %broadcast_in_dim3A_235 : vector<1024x1xi32> to vector<1024x512xi32>
    %eq3A_243 = arith.cmpi eq, %select_n3A_229, %eq3A_242 : vector<1024x512xi32>
    %select_n3A_244 = arith.select %eq3A_243, %select_n3A_232, %select_n3A_229 : vector<1024x512xi1>, vector<1024x512xi32>
    %reduce_max3A_245 = arith.constant dense<-2147483648> : vector<1024xi32>
    %reduce_max3A_246 = vector.multi_reduction <maxsi>, %select_n3A_244, %reduce_max3A_245 [1] : vector<1024x512xi32> to vector<1024xi32>
    %broadcast_in_dim3A_247 = vector.shape_cast %reduce_max3A_246 : vector<1024xi32> to vector<1024x1xi32>
    %and3A_248 = arith.constant 1023 : i32
    %and3A_249 = vector.broadcast %and3A_248 : i32 to vector<1024x1xi32>
    %and3A_250 = arith.andi %broadcast_in_dim3A_247, %and3A_249 : vector<1024x1xi32>
    %sub3A_251 = arith.constant 1023 : i32
    %sub3A_252 = vector.broadcast %sub3A_251 : i32 to vector<1024x1xi32>
    %sub3A_253 = arith.subi %sub3A_252, %and3A_250 : vector<1024x1xi32>
    %mul3A_254 = arith.constant 5 : i32
    %mul3A_255 = vector.broadcast %mul3A_254 : i32 to vector<1024x1xi32>
    %mul3A_256 = arith.muli %mul3A_255, %iota3A_24 : vector<1024x1xi32>
    %add3A = arith.constant 0 : i32
    %add3A_257 = vector.broadcast %add3A : i32 to vector<1024x1xi32>
    %add3A_258 = arith.addi %mul3A_256, %add3A_257 : vector<1024x1xi32>
    %and3A_259 = arith.constant 1023 : i32
    %and3A_260 = vector.broadcast %and3A_259 : i32 to vector<1024x1xi32>
    %and3A_261 = arith.andi %add3A_258, %and3A_260 : vector<1024x1xi32>
    %mul3A_262 = arith.constant 1024 : i32
    %mul3A_263 = vector.broadcast %mul3A_262 : i32 to vector<1024x1xi32>
    %mul3A_264 = arith.muli %and3A_261, %mul3A_263 : vector<1024x1xi32>
    %add3A_265 = arith.addi %mul3A_264, %sub3A_51 : vector<1024x1xi32>
    %swap3A_266 = arith.constant 0 : index
    %swap3A_267 = arith.constant 0 : index
    %swap3A_268 = vector.load %arg3[%swap3A_266, %swap3A_267] : memref<1024x128xi32, #tpu.memory_space<vmem>>, vector<1024x1xi32>
    tpu.vector_store %arg3[%swap3A_266, %swap3A_267], %add3A_265 {strides = array<i32>} : memref<1024x128xi32, #tpu.memory_space<vmem>>, vector<1024x1xi32>,
    %add3A_269 = arith.addi %mul3A_264, %sub3A_121 : vector<1024x1xi32>
    %swap3A_270 = arith.constant 0 : index
    %swap3A_271 = arith.constant 1 : index
    %swap3A_272 = vector.load %arg3[%swap3A_270, %swap3A_271] : memref<1024x128xi32, #tpu.memory_space<vmem>>, vector<1024x1xi32>
    tpu.vector_store %arg3[%swap3A_270, %swap3A_271], %add3A_269 {strides = array<i32>} : memref<1024x128xi32, #tpu.memory_space<vmem>>, vector<1024x1xi32>,
    %add3A_273 = arith.addi %mul3A_264, %sub3A_136 : vector<1024x1xi32>
    %swap3A_274 = arith.constant 0 : index
    %swap3A_275 = arith.constant 2 : index
    %swap3A_276 = vector.load %arg3[%swap3A_274, %swap3A_275] : memref<1024x128xi32, #tpu.memory_space<vmem>>, vector<1024x1xi32>
    tpu.vector_store %arg3[%swap3A_274, %swap3A_275], %add3A_273 {strides = array<i32>} : memref<1024x128xi32, #tpu.memory_space<vmem>>, vector<1024x1xi32>,
    %add3A_277 = arith.addi %mul3A_264, %sub3A_151 : vector<1024x1xi32>
    %swap3A_278 = arith.constant 0 : index
    %swap3A_279 = arith.constant 3 : index
    %swap3A_280 = vector.load %arg3[%swap3A_278, %swap3A_279] : memref<1024x128xi32, #tpu.memory_space<vmem>>, vector<1024x1xi32>
    tpu.vector_store %arg3[%swap3A_278, %swap3A_279], %add3A_277 {strides = array<i32>} : memref<1024x128xi32, #tpu.memory_space<vmem>>, vector<1024x1xi32>,
    %add3A_281 = arith.addi %mul3A_264, %sub3A_166 : vector<1024x1xi32>
    %swap3A_282 = arith.constant 0 : index
    %swap3A_283 = arith.constant 4 : index
    %swap3A_284 = vector.load %arg3[%swap3A_282, %swap3A_283] : memref<1024x128xi32, #tpu.memory_space<vmem>>, vector<1024x1xi32>
    tpu.vector_store %arg3[%swap3A_282, %swap3A_283], %add3A_281 {strides = array<i32>} : memref<1024x128xi32, #tpu.memory_space<vmem>>, vector<1024x1xi32>,
    %add3A_285 = arith.addi %mul3A_264, %sub3A_181 : vector<1024x1xi32>
    %swap3A_286 = arith.constant 0 : index
    %swap3A_287 = arith.constant 5 : index
    %swap3A_288 = vector.load %arg3[%swap3A_286, %swap3A_287] : memref<1024x128xi32, #tpu.memory_space<vmem>>, vector<1024x1xi32>
    tpu.vector_store %arg3[%swap3A_286, %swap3A_287], %add3A_285 {strides = array<i32>} : memref<1024x128xi32, #tpu.memory_space<vmem>>, vector<1024x1xi32>,
    %add3A_289 = arith.addi %mul3A_264, %sub3A_196 : vector<1024x1xi32>
    %swap3A_290 = arith.constant 0 : index
    %swap3A_291 = arith.constant 6 : index
    %swap3A_292 = vector.load %arg3[%swap3A_290, %swap3A_291] : memref<1024x128xi32, #tpu.memory_space<vmem>>, vector<1024x1xi32>
    tpu.vector_store %arg3[%swap3A_290, %swap3A_291], %add3A_289 {strides = array<i32>} : memref<1024x128xi32, #tpu.memory_space<vmem>>, vector<1024x1xi32>,
    %add3A_293 = arith.addi %mul3A_264, %sub3A_211 : vector<1024x1xi32>
    %swap3A_294 = arith.constant 0 : index
    %swap3A_295 = arith.constant 7 : index
    %swap3A_296 = vector.load %arg3[%swap3A_294, %swap3A_295] : memref<1024x128xi32, #tpu.memory_space<vmem>>, vector<1024x1xi32>
    tpu.vector_store %arg3[%swap3A_294, %swap3A_295], %add3A_293 {strides = array<i32>} : memref<1024x128xi32, #tpu.memory_space<vmem>>, vector<1024x1xi32>,
    %add3A_297 = arith.addi %mul3A_264, %sub3A_226 : vector<1024x1xi32>
    %swap3A_298 = arith.constant 0 : index
    %swap3A_299 = arith.constant 8 : index
    %swap3A_300 = vector.load %arg3[%swap3A_298, %swap3A_299] : memref<1024x128xi32, #tpu.memory_space<vmem>>, vector<1024x1xi32>
    tpu.vector_store %arg3[%swap3A_298, %swap3A_299], %add3A_297 {strides = array<i32>} : memref<1024x128xi32, #tpu.memory_space<vmem>>, vector<1024x1xi32>,
    %add3A_301 = arith.addi %mul3A_264, %sub3A_241 : vector<1024x1xi32>
    %swap3A_302 = arith.constant 0 : index
    %swap3A_303 = arith.constant 9 : index
    %swap3A_304 = vector.load %arg3[%swap3A_302, %swap3A_303] : memref<1024x128xi32, #tpu.memory_space<vmem>>, vector<1024x1xi32>
    tpu.vector_store %arg3[%swap3A_302, %swap3A_303], %add3A_301 {strides = array<i32>} : memref<1024x128xi32, #tpu.memory_space<vmem>>, vector<1024x1xi32>,
    %add3A_305 = arith.addi %mul3A_264, %sub3A_253 : vector<1024x1xi32>
    %swap3A_306 = arith.constant 0 : index
    %swap3A_307 = arith.constant 10 : index
    %swap3A_308 = vector.load %arg3[%swap3A_306, %swap3A_307] : memref<1024x128xi32, #tpu.memory_space<vmem>>, vector<1024x1xi32>
    tpu.vector_store %arg3[%swap3A_306, %swap3A_307], %add3A_305 {strides = array<i32>} : memref<1024x128xi32, #tpu.memory_space<vmem>>, vector<1024x1xi32>,
    %mul3A_309 = arith.constant 5 : i32
    %mul3A_310 = vector.broadcast %mul3A_309 : i32 to vector<1024x1xi32>
    %mul3A_311 = arith.muli %mul3A_310, %iota3A_24 : vector<1024x1xi32>
    %add3A_312 = arith.constant 1 : i32
    %add3A_313 = vector.broadcast %add3A_312 : i32 to vector<1024x1xi32>
    %add3A_314 = arith.addi %mul3A_311, %add3A_313 : vector<1024x1xi32>
    %and3A_315 = arith.constant 1023 : i32
    %and3A_316 = vector.broadcast %and3A_315 : i32 to vector<1024x1xi32>
    %and3A_317 = arith.andi %add3A_314, %and3A_316 : vector<1024x1xi32>
    %mul3A_318 = arith.constant 1024 : i32
    %mul3A_319 = vector.broadcast %mul3A_318 : i32 to vector<1024x1xi32>
    %mul3A_320 = arith.muli %and3A_317, %mul3A_319 : vector<1024x1xi32>
    %add3A_321 = arith.addi %mul3A_320, %sub3A_64 : vector<1024x1xi32>
    %swap3A_322 = arith.constant 0 : index
    %swap3A_323 = arith.constant 11 : index
    %swap3A_324 = vector.load %arg3[%swap3A_322, %swap3A_323] : memref<1024x128xi32, #tpu.memory_space<vmem>>, vector<1024x1xi32>
    tpu.vector_store %arg3[%swap3A_322, %swap3A_323], %add3A_321 {strides = array<i32>} : memref<1024x128xi32, #tpu.memory_space<vmem>>, vector<1024x1xi32>,
    %add3A_325 = arith.addi %mul3A_320, %sub3A_121 : vector<1024x1xi32>
    %swap3A_326 = arith.constant 0 : index
    %swap3A_327 = arith.constant 12 : index
    %swap3A_328 = vector.load %arg3[%swap3A_326, %swap3A_327] : memref<1024x128xi32, #tpu.memory_space<vmem>>, vector<1024x1xi32>
    tpu.vector_store %arg3[%swap3A_326, %swap3A_327], %add3A_325 {strides = array<i32>} : memref<1024x128xi32, #tpu.memory_space<vmem>>, vector<1024x1xi32>,
    %add3A_329 = arith.addi %mul3A_320, %sub3A_136 : vector<1024x1xi32>
    %swap3A_330 = arith.constant 0 : index
    %swap3A_331 = arith.constant 13 : index
    %swap3A_332 = vector.load %arg3[%swap3A_330, %swap3A_331] : memref<1024x128xi32, #tpu.memory_space<vmem>>, vector<1024x1xi32>
    tpu.vector_store %arg3[%swap3A_330, %swap3A_331], %add3A_329 {strides = array<i32>} : memref<1024x128xi32, #tpu.memory_space<vmem>>, vector<1024x1xi32>,
    %add3A_333 = arith.addi %mul3A_320, %sub3A_151 : vector<1024x1xi32>
    %swap3A_334 = arith.constant 0 : index
    %swap3A_335 = arith.constant 14 : index
    %swap3A_336 = vector.load %arg3[%swap3A_334, %swap3A_335] : memref<1024x128xi32, #tpu.memory_space<vmem>>, vector<1024x1xi32>
    tpu.vector_store %arg3[%swap3A_334, %swap3A_335], %add3A_333 {strides = array<i32>} : memref<1024x128xi32, #tpu.memory_space<vmem>>, vector<1024x1xi32>,
    %add3A_337 = arith.addi %mul3A_320, %sub3A_166 : vector<1024x1xi32>
    %swap3A_338 = arith.constant 0 : index
    %swap3A_339 = arith.constant 15 : index
    %swap3A_340 = vector.load %arg3[%swap3A_338, %swap3A_339] : memref<1024x128xi32, #tpu.memory_space<vmem>>, vector<1024x1xi32>
    tpu.vector_store %arg3[%swap3A_338, %swap3A_339], %add3A_337 {strides = array<i32>} : memref<1024x128xi32, #tpu.memory_space<vmem>>, vector<1024x1xi32>,
    %add3A_341 = arith.addi %mul3A_320, %sub3A_181 : vector<1024x1xi32>
    %swap3A_342 = arith.constant 0 : index
    %swap3A_343 = arith.constant 16 : index
    %swap3A_344 = vector.load %arg3[%swap3A_342, %swap3A_343] : memref<1024x128xi32, #tpu.memory_space<vmem>>, vector<1024x1xi32>
    tpu.vector_store %arg3[%swap3A_342, %swap3A_343], %add3A_341 {strides = array<i32>} : memref<1024x128xi32, #tpu.memory_space<vmem>>, vector<1024x1xi32>,
    %add3A_345 = arith.addi %mul3A_320, %sub3A_196 : vector<1024x1xi32>
    %swap3A_346 = arith.constant 0 : index
    %swap3A_347 = arith.constant 17 : index
    %swap3A_348 = vector.load %arg3[%swap3A_346, %swap3A_347] : memref<1024x128xi32, #tpu.memory_space<vmem>>, vector<1024x1xi32>
    tpu.vector_store %arg3[%swap3A_346, %swap3A_347], %add3A_345 {strides = array<i32>} : memref<1024x128xi32, #tpu.memory_space<vmem>>, vector<1024x1xi32>,
    %add3A_349 = arith.addi %mul3A_320, %sub3A_211 : vector<1024x1xi32>
    %swap3A_350 = arith.constant 0 : index
    %swap3A_351 = arith.constant 18 : index
    %swap3A_352 = vector.load %arg3[%swap3A_350, %swap3A_351] : memref<1024x128xi32, #tpu.memory_space<vmem>>, vector<1024x1xi32>
    tpu.vector_store %arg3[%swap3A_350, %swap3A_351], %add3A_349 {strides = array<i32>} : memref<1024x128xi32, #tpu.memory_space<vmem>>, vector<1024x1xi32>,
    %add3A_353 = arith.addi %mul3A_320, %sub3A_226 : vector<1024x1xi32>
    %swap3A_354 = arith.constant 0 : index
    %swap3A_355 = arith.constant 19 : index
    %swap3A_356 = vector.load %arg3[%swap3A_354, %swap3A_355] : memref<1024x128xi32, #tpu.memory_space<vmem>>, vector<1024x1xi32>
    tpu.vector_store %arg3[%swap3A_354, %swap3A_355], %add3A_353 {strides = array<i32>} : memref<1024x128xi32, #tpu.memory_space<vmem>>, vector<1024x1xi32>,
    %add3A_357 = arith.addi %mul3A_320, %sub3A_241 : vector<1024x1xi32>
    %swap3A_358 = arith.constant 0 : index
    %swap3A_359 = arith.constant 20 : index
    %swap3A_360 = vector.load %arg3[%swap3A_358, %swap3A_359] : memref<1024x128xi32, #tpu.memory_space<vmem>>, vector<1024x1xi32>
    tpu.vector_store %arg3[%swap3A_358, %swap3A_359], %add3A_357 {strides = array<i32>} : memref<1024x128xi32, #tpu.memory_space<vmem>>, vector<1024x1xi32>,
    %add3A_361 = arith.addi %mul3A_320, %sub3A_253 : vector<1024x1xi32>
    %swap3A_362 = arith.constant 0 : index
    %swap3A_363 = arith.constant 21 : index
    %swap3A_364 = vector.load %arg3[%swap3A_362, %swap3A_363] : memref<1024x128xi32, #tpu.memory_space<vmem>>, vector<1024x1xi32>
    tpu.vector_store %arg3[%swap3A_362, %swap3A_363], %add3A_361 {strides = array<i32>} : memref<1024x128xi32, #tpu.memory_space<vmem>>, vector<1024x1xi32>,
    %mul3A_365 = arith.constant 5 : i32
    %mul3A_366 = vector.broadcast %mul3A_365 : i32 to vector<1024x1xi32>
    %mul3A_367 = arith.muli %mul3A_366, %iota3A_24 : vector<1024x1xi32>
    %add3A_368 = arith.constant 2 : i32
    %add3A_369 = vector.broadcast %add3A_368 : i32 to vector<1024x1xi32>
    %add3A_370 = arith.addi %mul3A_367, %add3A_369 : vector<1024x1xi32>
    %and3A_371 = arith.constant 1023 : i32
    %and3A_372 = vector.broadcast %and3A_371 : i32 to vector<1024x1xi32>
    %and3A_373 = arith.andi %add3A_370, %and3A_372 : vector<1024x1xi32>
    %mul3A_374 = arith.constant 1024 : i32
    %mul3A_375 = vector.broadcast %mul3A_374 : i32 to vector<1024x1xi32>
    %mul3A_376 = arith.muli %and3A_373, %mul3A_375 : vector<1024x1xi32>
    %add3A_377 = arith.addi %mul3A_376, %sub3A_79 : vector<1024x1xi32>
    %swap3A_378 = arith.constant 0 : index
    %swap3A_379 = arith.constant 22 : index
    %swap3A_380 = vector.load %arg3[%swap3A_378, %swap3A_379] : memref<1024x128xi32, #tpu.memory_space<vmem>>, vector<1024x1xi32>
    tpu.vector_store %arg3[%swap3A_378, %swap3A_379], %add3A_377 {strides = array<i32>} : memref<1024x128xi32, #tpu.memory_space<vmem>>, vector<1024x1xi32>,
    %add3A_381 = arith.addi %mul3A_376, %sub3A_121 : vector<1024x1xi32>
    %swap3A_382 = arith.constant 0 : index
    %swap3A_383 = arith.constant 23 : index
    %swap3A_384 = vector.load %arg3[%swap3A_382, %swap3A_383] : memref<1024x128xi32, #tpu.memory_space<vmem>>, vector<1024x1xi32>
    tpu.vector_store %arg3[%swap3A_382, %swap3A_383], %add3A_381 {strides = array<i32>} : memref<1024x128xi32, #tpu.memory_space<vmem>>, vector<1024x1xi32>,
    %add3A_385 = arith.addi %mul3A_376, %sub3A_136 : vector<1024x1xi32>
    %swap3A_386 = arith.constant 0 : index
    %swap3A_387 = arith.constant 24 : index
    %swap3A_388 = vector.load %arg3[%swap3A_386, %swap3A_387] : memref<1024x128xi32, #tpu.memory_space<vmem>>, vector<1024x1xi32>
    tpu.vector_store %arg3[%swap3A_386, %swap3A_387], %add3A_385 {strides = array<i32>} : memref<1024x128xi32, #tpu.memory_space<vmem>>, vector<1024x1xi32>,
    %add3A_389 = arith.addi %mul3A_376, %sub3A_151 : vector<1024x1xi32>
    %swap3A_390 = arith.constant 0 : index
    %swap3A_391 = arith.constant 25 : index
    %swap3A_392 = vector.load %arg3[%swap3A_390, %swap3A_391] : memref<1024x128xi32, #tpu.memory_space<vmem>>, vector<1024x1xi32>
    tpu.vector_store %arg3[%swap3A_390, %swap3A_391], %add3A_389 {strides = array<i32>} : memref<1024x128xi32, #tpu.memory_space<vmem>>, vector<1024x1xi32>,
    %add3A_393 = arith.addi %mul3A_376, %sub3A_166 : vector<1024x1xi32>
    %swap3A_394 = arith.constant 0 : index
    %swap3A_395 = arith.constant 26 : index
    %swap3A_396 = vector.load %arg3[%swap3A_394, %swap3A_395] : memref<1024x128xi32, #tpu.memory_space<vmem>>, vector<1024x1xi32>
    tpu.vector_store %arg3[%swap3A_394, %swap3A_395], %add3A_393 {strides = array<i32>} : memref<1024x128xi32, #tpu.memory_space<vmem>>, vector<1024x1xi32>,
    %add3A_397 = arith.addi %mul3A_376, %sub3A_181 : vector<1024x1xi32>
    %swap3A_398 = arith.constant 0 : index
    %swap3A_399 = arith.constant 27 : index
    %swap3A_400 = vector.load %arg3[%swap3A_398, %swap3A_399] : memref<1024x128xi32, #tpu.memory_space<vmem>>, vector<1024x1xi32>
    tpu.vector_store %arg3[%swap3A_398, %swap3A_399], %add3A_397 {strides = array<i32>} : memref<1024x128xi32, #tpu.memory_space<vmem>>, vector<1024x1xi32>,
    %add3A_401 = arith.addi %mul3A_376, %sub3A_196 : vector<1024x1xi32>
    %swap3A_402 = arith.constant 0 : index
    %swap3A_403 = arith.constant 28 : index
    %swap3A_404 = vector.load %arg3[%swap3A_402, %swap3A_403] : memref<1024x128xi32, #tpu.memory_space<vmem>>, vector<1024x1xi32>
    tpu.vector_store %arg3[%swap3A_402, %swap3A_403], %add3A_401 {strides = array<i32>} : memref<1024x128xi32, #tpu.memory_space<vmem>>, vector<1024x1xi32>,
    %add3A_405 = arith.addi %mul3A_376, %sub3A_211 : vector<1024x1xi32>
    %swap3A_406 = arith.constant 0 : index
    %swap3A_407 = arith.constant 29 : index
    %swap3A_408 = vector.load %arg3[%swap3A_406, %swap3A_407] : memref<1024x128xi32, #tpu.memory_space<vmem>>, vector<1024x1xi32>
    tpu.vector_store %arg3[%swap3A_406, %swap3A_407], %add3A_405 {strides = array<i32>} : memref<1024x128xi32, #tpu.memory_space<vmem>>, vector<1024x1xi32>,
    %add3A_409 = arith.addi %mul3A_376, %sub3A_226 : vector<1024x1xi32>
    %swap3A_410 = arith.constant 0 : index
    %swap3A_411 = arith.constant 30 : index
    %swap3A_412 = vector.load %arg3[%swap3A_410, %swap3A_411] : memref<1024x128xi32, #tpu.memory_space<vmem>>, vector<1024x1xi32>
    tpu.vector_store %arg3[%swap3A_410, %swap3A_411], %add3A_409 {strides = array<i32>} : memref<1024x128xi32, #tpu.memory_space<vmem>>, vector<1024x1xi32>,
    %add3A_413 = arith.addi %mul3A_376, %sub3A_241 : vector<1024x1xi32>
    %swap3A_414 = arith.constant 0 : index
    %swap3A_415 = arith.constant 31 : index
    %swap3A_416 = vector.load %arg3[%swap3A_414, %swap3A_415] : memref<1024x128xi32, #tpu.memory_space<vmem>>, vector<1024x1xi32>
    tpu.vector_store %arg3[%swap3A_414, %swap3A_415], %add3A_413 {strides = array<i32>} : memref<1024x128xi32, #tpu.memory_space<vmem>>, vector<1024x1xi32>,
    %add3A_417 = arith.addi %mul3A_376, %sub3A_253 : vector<1024x1xi32>
    %swap3A_418 = arith.constant 0 : index
    %swap3A_419 = arith.constant 32 : index
    %swap3A_420 = vector.load %arg3[%swap3A_418, %swap3A_419] : memref<1024x128xi32, #tpu.memory_space<vmem>>, vector<1024x1xi32>
    tpu.vector_store %arg3[%swap3A_418, %swap3A_419], %add3A_417 {strides = array<i32>} : memref<1024x128xi32, #tpu.memory_space<vmem>>, vector<1024x1xi32>,
    %mul3A_421 = arith.constant 5 : i32
    %mul3A_422 = vector.broadcast %mul3A_421 : i32 to vector<1024x1xi32>
    %mul3A_423 = arith.muli %mul3A_422, %iota3A_24 : vector<1024x1xi32>
    %add3A_424 = arith.constant 3 : i32
    %add3A_425 = vector.broadcast %add3A_424 : i32 to vector<1024x1xi32>
    %add3A_426 = arith.addi %mul3A_423, %add3A_425 : vector<1024x1xi32>
    %and3A_427 = arith.constant 1023 : i32
    %and3A_428 = vector.broadcast %and3A_427 : i32 to vector<1024x1xi32>
    %and3A_429 = arith.andi %add3A_426, %and3A_428 : vector<1024x1xi32>
    %mul3A_430 = arith.constant 1024 : i32
    %mul3A_431 = vector.broadcast %mul3A_430 : i32 to vector<1024x1xi32>
    %mul3A_432 = arith.muli %and3A_429, %mul3A_431 : vector<1024x1xi32>
    %add3A_433 = arith.addi %mul3A_432, %sub3A_94 : vector<1024x1xi32>
    %swap3A_434 = arith.constant 0 : index
    %swap3A_435 = arith.constant 33 : index
    %swap3A_436 = vector.load %arg3[%swap3A_434, %swap3A_435] : memref<1024x128xi32, #tpu.memory_space<vmem>>, vector<1024x1xi32>
    tpu.vector_store %arg3[%swap3A_434, %swap3A_435], %add3A_433 {strides = array<i32>} : memref<1024x128xi32, #tpu.memory_space<vmem>>, vector<1024x1xi32>,
    %add3A_437 = arith.addi %mul3A_432, %sub3A_121 : vector<1024x1xi32>
    %swap3A_438 = arith.constant 0 : index
    %swap3A_439 = arith.constant 34 : index
    %swap3A_440 = vector.load %arg3[%swap3A_438, %swap3A_439] : memref<1024x128xi32, #tpu.memory_space<vmem>>, vector<1024x1xi32>
    tpu.vector_store %arg3[%swap3A_438, %swap3A_439], %add3A_437 {strides = array<i32>} : memref<1024x128xi32, #tpu.memory_space<vmem>>, vector<1024x1xi32>,
    %add3A_441 = arith.addi %mul3A_432, %sub3A_136 : vector<1024x1xi32>
    %swap3A_442 = arith.constant 0 : index
    %swap3A_443 = arith.constant 35 : index
    %swap3A_444 = vector.load %arg3[%swap3A_442, %swap3A_443] : memref<1024x128xi32, #tpu.memory_space<vmem>>, vector<1024x1xi32>
    tpu.vector_store %arg3[%swap3A_442, %swap3A_443], %add3A_441 {strides = array<i32>} : memref<1024x128xi32, #tpu.memory_space<vmem>>, vector<1024x1xi32>,
    %add3A_445 = arith.addi %mul3A_432, %sub3A_151 : vector<1024x1xi32>
    %swap3A_446 = arith.constant 0 : index
    %swap3A_447 = arith.constant 36 : index
    %swap3A_448 = vector.load %arg3[%swap3A_446, %swap3A_447] : memref<1024x128xi32, #tpu.memory_space<vmem>>, vector<1024x1xi32>
    tpu.vector_store %arg3[%swap3A_446, %swap3A_447], %add3A_445 {strides = array<i32>} : memref<1024x128xi32, #tpu.memory_space<vmem>>, vector<1024x1xi32>,
    %add3A_449 = arith.addi %mul3A_432, %sub3A_166 : vector<1024x1xi32>
    %swap3A_450 = arith.constant 0 : index
    %swap3A_451 = arith.constant 37 : index
    %swap3A_452 = vector.load %arg3[%swap3A_450, %swap3A_451] : memref<1024x128xi32, #tpu.memory_space<vmem>>, vector<1024x1xi32>
    tpu.vector_store %arg3[%swap3A_450, %swap3A_451], %add3A_449 {strides = array<i32>} : memref<1024x128xi32, #tpu.memory_space<vmem>>, vector<1024x1xi32>,
    %add3A_453 = arith.addi %mul3A_432, %sub3A_181 : vector<1024x1xi32>
    %swap3A_454 = arith.constant 0 : index
    %swap3A_455 = arith.constant 38 : index
    %swap3A_456 = vector.load %arg3[%swap3A_454, %swap3A_455] : memref<1024x128xi32, #tpu.memory_space<vmem>>, vector<1024x1xi32>
    tpu.vector_store %arg3[%swap3A_454, %swap3A_455], %add3A_453 {strides = array<i32>} : memref<1024x128xi32, #tpu.memory_space<vmem>>, vector<1024x1xi32>,
    %add3A_457 = arith.addi %mul3A_432, %sub3A_196 : vector<1024x1xi32>
    %swap3A_458 = arith.constant 0 : index
    %swap3A_459 = arith.constant 39 : index
    %swap3A_460 = vector.load %arg3[%swap3A_458, %swap3A_459] : memref<1024x128xi32, #tpu.memory_space<vmem>>, vector<1024x1xi32>
    tpu.vector_store %arg3[%swap3A_458, %swap3A_459], %add3A_457 {strides = array<i32>} : memref<1024x128xi32, #tpu.memory_space<vmem>>, vector<1024x1xi32>,
    %add3A_461 = arith.addi %mul3A_432, %sub3A_211 : vector<1024x1xi32>
    %swap3A_462 = arith.constant 0 : index
    %swap3A_463 = arith.constant 40 : index
    %swap3A_464 = vector.load %arg3[%swap3A_462, %swap3A_463] : memref<1024x128xi32, #tpu.memory_space<vmem>>, vector<1024x1xi32>
    tpu.vector_store %arg3[%swap3A_462, %swap3A_463], %add3A_461 {strides = array<i32>} : memref<1024x128xi32, #tpu.memory_space<vmem>>, vector<1024x1xi32>,
    %add3A_465 = arith.addi %mul3A_432, %sub3A_226 : vector<1024x1xi32>
    %swap3A_466 = arith.constant 0 : index
    %swap3A_467 = arith.constant 41 : index
    %swap3A_468 = vector.load %arg3[%swap3A_466, %swap3A_467] : memref<1024x128xi32, #tpu.memory_space<vmem>>, vector<1024x1xi32>
    tpu.vector_store %arg3[%swap3A_466, %swap3A_467], %add3A_465 {strides = array<i32>} : memref<1024x128xi32, #tpu.memory_space<vmem>>, vector<1024x1xi32>,
    %add3A_469 = arith.addi %mul3A_432, %sub3A_241 : vector<1024x1xi32>
    %swap3A_470 = arith.constant 0 : index
    %swap3A_471 = arith.constant 42 : index
    %swap3A_472 = vector.load %arg3[%swap3A_470, %swap3A_471] : memref<1024x128xi32, #tpu.memory_space<vmem>>, vector<1024x1xi32>
    tpu.vector_store %arg3[%swap3A_470, %swap3A_471], %add3A_469 {strides = array<i32>} : memref<1024x128xi32, #tpu.memory_space<vmem>>, vector<1024x1xi32>,
    %add3A_473 = arith.addi %mul3A_432, %sub3A_253 : vector<1024x1xi32>
    %swap3A_474 = arith.constant 0 : index
    %swap3A_475 = arith.constant 43 : index
    %swap3A_476 = vector.load %arg3[%swap3A_474, %swap3A_475] : memref<1024x128xi32, #tpu.memory_space<vmem>>, vector<1024x1xi32>
    tpu.vector_store %arg3[%swap3A_474, %swap3A_475], %add3A_473 {strides = array<i32>} : memref<1024x128xi32, #tpu.memory_space<vmem>>, vector<1024x1xi32>,
    %mul3A_477 = arith.constant 5 : i32
    %mul3A_478 = vector.broadcast %mul3A_477 : i32 to vector<1024x1xi32>
    %mul3A_479 = arith.muli %mul3A_478, %iota3A_24 : vector<1024x1xi32>
    %add3A_480 = arith.constant 4 : i32
    %add3A_481 = vector.broadcast %add3A_480 : i32 to vector<1024x1xi32>
    %add3A_482 = arith.addi %mul3A_479, %add3A_481 : vector<1024x1xi32>
    %and3A_483 = arith.constant 1023 : i32
    %and3A_484 = vector.broadcast %and3A_483 : i32 to vector<1024x1xi32>
    %and3A_485 = arith.andi %add3A_482, %and3A_484 : vector<1024x1xi32>
    %mul3A_486 = arith.constant 1024 : i32
    %mul3A_487 = vector.broadcast %mul3A_486 : i32 to vector<1024x1xi32>
    %mul3A_488 = arith.muli %and3A_485, %mul3A_487 : vector<1024x1xi32>
    %add3A_489 = arith.addi %mul3A_488, %sub3A_106 : vector<1024x1xi32>
    %swap3A_490 = arith.constant 0 : index
    %swap3A_491 = arith.constant 44 : index
    %swap3A_492 = vector.load %arg3[%swap3A_490, %swap3A_491] : memref<1024x128xi32, #tpu.memory_space<vmem>>, vector<1024x1xi32>
    tpu.vector_store %arg3[%swap3A_490, %swap3A_491], %add3A_489 {strides = array<i32>} : memref<1024x128xi32, #tpu.memory_space<vmem>>, vector<1024x1xi32>,
    %add3A_493 = arith.addi %mul3A_488, %sub3A_121 : vector<1024x1xi32>
    %swap3A_494 = arith.constant 0 : index
    %swap3A_495 = arith.constant 45 : index
    %swap3A_496 = vector.load %arg3[%swap3A_494, %swap3A_495] : memref<1024x128xi32, #tpu.memory_space<vmem>>, vector<1024x1xi32>
    tpu.vector_store %arg3[%swap3A_494, %swap3A_495], %add3A_493 {strides = array<i32>} : memref<1024x128xi32, #tpu.memory_space<vmem>>, vector<1024x1xi32>,
    %add3A_497 = arith.addi %mul3A_488, %sub3A_136 : vector<1024x1xi32>
    %swap3A_498 = arith.constant 0 : index
    %swap3A_499 = arith.constant 46 : index
    %swap3A_500 = vector.load %arg3[%swap3A_498, %swap3A_499] : memref<1024x128xi32, #tpu.memory_space<vmem>>, vector<1024x1xi32>
    tpu.vector_store %arg3[%swap3A_498, %swap3A_499], %add3A_497 {strides = array<i32>} : memref<1024x128xi32, #tpu.memory_space<vmem>>, vector<1024x1xi32>,
    %add3A_501 = arith.addi %mul3A_488, %sub3A_151 : vector<1024x1xi32>
    %swap3A_502 = arith.constant 0 : index
    %swap3A_503 = arith.constant 47 : index
    %swap3A_504 = vector.load %arg3[%swap3A_502, %swap3A_503] : memref<1024x128xi32, #tpu.memory_space<vmem>>, vector<1024x1xi32>
    tpu.vector_store %arg3[%swap3A_502, %swap3A_503], %add3A_501 {strides = array<i32>} : memref<1024x128xi32, #tpu.memory_space<vmem>>, vector<1024x1xi32>,
    %add3A_505 = arith.addi %mul3A_488, %sub3A_166 : vector<1024x1xi32>
    %swap3A_506 = arith.constant 0 : index
    %swap3A_507 = arith.constant 48 : index
    %swap3A_508 = vector.load %arg3[%swap3A_506, %swap3A_507] : memref<1024x128xi32, #tpu.memory_space<vmem>>, vector<1024x1xi32>
    tpu.vector_store %arg3[%swap3A_506, %swap3A_507], %add3A_505 {strides = array<i32>} : memref<1024x128xi32, #tpu.memory_space<vmem>>, vector<1024x1xi32>,
    %add3A_509 = arith.addi %mul3A_488, %sub3A_181 : vector<1024x1xi32>
    %swap3A_510 = arith.constant 0 : index
    %swap3A_511 = arith.constant 49 : index
    %swap3A_512 = vector.load %arg3[%swap3A_510, %swap3A_511] : memref<1024x128xi32, #tpu.memory_space<vmem>>, vector<1024x1xi32>
    tpu.vector_store %arg3[%swap3A_510, %swap3A_511], %add3A_509 {strides = array<i32>} : memref<1024x128xi32, #tpu.memory_space<vmem>>, vector<1024x1xi32>,
    %add3A_513 = arith.addi %mul3A_488, %sub3A_196 : vector<1024x1xi32>
    %swap3A_514 = arith.constant 0 : index
    %swap3A_515 = arith.constant 50 : index
    %swap3A_516 = vector.load %arg3[%swap3A_514, %swap3A_515] : memref<1024x128xi32, #tpu.memory_space<vmem>>, vector<1024x1xi32>
    tpu.vector_store %arg3[%swap3A_514, %swap3A_515], %add3A_513 {strides = array<i32>} : memref<1024x128xi32, #tpu.memory_space<vmem>>, vector<1024x1xi32>,
    %add3A_517 = arith.addi %mul3A_488, %sub3A_211 : vector<1024x1xi32>
    %swap3A_518 = arith.constant 0 : index
    %swap3A_519 = arith.constant 51 : index
    %swap3A_520 = vector.load %arg3[%swap3A_518, %swap3A_519] : memref<1024x128xi32, #tpu.memory_space<vmem>>, vector<1024x1xi32>
    tpu.vector_store %arg3[%swap3A_518, %swap3A_519], %add3A_517 {strides = array<i32>} : memref<1024x128xi32, #tpu.memory_space<vmem>>, vector<1024x1xi32>,
    %add3A_521 = arith.addi %mul3A_488, %sub3A_226 : vector<1024x1xi32>
    %swap3A_522 = arith.constant 0 : index
    %swap3A_523 = arith.constant 52 : index
    %swap3A_524 = vector.load %arg3[%swap3A_522, %swap3A_523] : memref<1024x128xi32, #tpu.memory_space<vmem>>, vector<1024x1xi32>
    tpu.vector_store %arg3[%swap3A_522, %swap3A_523], %add3A_521 {strides = array<i32>} : memref<1024x128xi32, #tpu.memory_space<vmem>>, vector<1024x1xi32>,
    %add3A_525 = arith.addi %mul3A_488, %sub3A_241 : vector<1024x1xi32>
    %swap3A_526 = arith.constant 0 : index
    %swap3A_527 = arith.constant 53 : index
    %swap3A_528 = vector.load %arg3[%swap3A_526, %swap3A_527] : memref<1024x128xi32, #tpu.memory_space<vmem>>, vector<1024x1xi32>
    tpu.vector_store %arg3[%swap3A_526, %swap3A_527], %add3A_525 {strides = array<i32>} : memref<1024x128xi32, #tpu.memory_space<vmem>>, vector<1024x1xi32>,
    %add3A_529 = arith.addi %mul3A_488, %sub3A_253 : vector<1024x1xi32>
    %swap3A_530 = arith.constant 0 : index
    %swap3A_531 = arith.constant 54 : index
    %swap3A_532 = vector.load %arg3[%swap3A_530, %swap3A_531] : memref<1024x128xi32, #tpu.memory_space<vmem>>, vector<1024x1xi32>
    tpu.vector_store %arg3[%swap3A_530, %swap3A_531], %add3A_529 {strides = array<i32>} : memref<1024x128xi32, #tpu.memory_space<vmem>>, vector<1024x1xi32>,
    %broadcast_in_dim3A_533 = arith.constant 0 : i32
    %broadcast_in_dim3A_534 = vector.broadcast %broadcast_in_dim3A_533 : i32 to vector<1024x73xi32>
    %swap3A_535 = arith.constant 0 : index
    %swap3A_536 = arith.constant 55 : index
    %swap3A_537 = vector.load %arg3[%swap3A_535, %swap3A_536] : memref<1024x128xi32, #tpu.memory_space<vmem>>, vector<1024x73xi32>
    tpu.vector_store %arg3[%swap3A_535, %swap3A_536], %broadcast_in_dim3A_534 {strides = array<i32>} : memref<1024x128xi32, #tpu.memory_space<vmem>>, vector<1024x73xi32>,
    return
  }
}

</mosaic_0001>

<sc_bundles>
// kernel: kernel.5.cloned.1.call-start
scs
__scs_entry_jumppad:
0x0: {  	(pc) =	sbr.rel $0x88, $3  }
0x1: {  	(tag) =	ssettag $0x0;
	lr =	simm.s32 $0x1  }
0x2: {  	[smem:$0x3F9F] =	sst lr;
	_ =	strace $0xD0000000  }
0x3: {  	_ = 	snop  }
0x4: {  	_ = 	snop  }
0x5: {  	_ = 	snop  }
0x6: {  	_ = 	snop  }
0x7: {  	_ = 	snop  }
__scs_overlays_trampoline_lowered:
0x8: {  	[smem:$0x3FAE] =	sst s0  }
0x9: {  	[smem:$0x3FAF] =	sst s1  }
0xa: {  	[smem:$0x3FB0] =	sst s2  }
0xb: {  	[smem:$0x3FB1] =	sst s3  }
0xc: {  	[smem:$0x3FB2] =	sst s4  }
0xd: {  	[smem:$0x3FB3] =	sst s5  }
0xe: {  	[smem:$0x3FB4] =	sst s6  }
0xf: {  	[smem:$0x3FB5] =	sst s7  }
0x10: {  	[smem:$0x3FB6] =	sst s8  }
0x11: {  	[smem:$0x3FB7] =	sst s9;
	s0 =	simm.s32 @!p0 $0x0  }
0x12: {  	s1 =	sld [smem:$0x3F9D];
	s0 =	simm.s32 @p0 $0x1  }
0x13: {  	[smem:$0x3FB8] =	sst s0;
	s0 =	simm.s32 @!p1 $0x0  }
0x14: {  	s2 =	sld [smem:$0x3F9C];
	s0 =	simm.s32 @p1 $0x1  }
0x15: {  	[smem:$0x3FB9] =	sst s0;
	s0 =	simm.s32 @!p2 $0x0  }
0x16: {  	s3 =	sld [smem:$0x3FDB];
	s0 =	simm.s32 @p2 $0x1  }
0x17: {  	s4 =	simm.s32 $0x1BF5;
	[smem:$0x3FBB] =	sst s0  }
0x18: {  	s0 =	sld [smem:$0x3F9E];
	_ =	swait.ge [sflag:s4], $0x0  }
0x19: {  	s7 =	sld [smem:$0x3F9F]  }
0x1a: {  	s8 =	sadd.s32 $0xFFFFE003, lr  }
0x1b: {  	s9 =	sadd.s32 $0xFFFFFEF7, lr;
	s5 =	simm.s32 $0xFFFFFFFF;
	p2 =	slt.u32 s8, $0xFFFFF086  }
0x1c: {  	p1 =	slt.u32 s9, $0xF7A;
	s5 =	simm.s32 @!p2 $0x0  }
0x1d: {  	s5 =	simm.s32 @p1 $0x1;
	p0 =	seq.s32 s7, s2  }
0x1e: {  	s7 =	smul.u32 @!p0 $0xF7A, s2;
	p2 =	seq.s32 @!p0 s5, $0x0  }
0x1f: {  	s9 =	smul.u32 $0xF7A, s1;
	s8 =	simm.s32 @!p0 $0x1BF5;
	p2 =	por !p2, p0  }
0x20: {  	[sflag:s8] =	ssyncset.s32 @!p0 $0xFFFFF086;
	s6 =	sadd.s32 @!p0 s3, s7;
	s7 =	simm.s32 @!p0 $0x108  }
0x21: {  	s3 =	sadd.s32 s3, s9;
	s6 =	sadd.s32 @!p0 $0x88, s6;
	s7 =	simm.s32 @p2 $0x1082  }
0x22: {  	[simem:s7], [sflag:s8] =	dma.local @!p0 [hbm:s6], $0xF7A  }
0x23: {  	s9 =	sor.u32 $0xD0000000, s2;
	s6 =	simm.s32 $0x108;
	_ =	swait.ge @!p0 [sflag:s8], $0x0  }
0x24: {  	s3 =	sadd.s32 $0x88, s3;
	s6 =	simm.s32 @!p1 $0x1082;
	[sflag:s4] =	ssyncset.s32 $0xFFFFF086  }
0x25: {  	[simem:s6], [sflag:s4] =	dma.local [hbm:s3], $0xF7A  }
0x26: {  	[smem:$0x3F9F] =	sst s1;
	(tag) =	ssettag s2;
	_ =	strace s9  }
0x27: {  	s1 =	sld [smem:$0x3FAF]  }
0x28: {  	s2 =	sld [smem:$0x3FB0]  }
0x29: {  	s4 =	sld [smem:$0x3FB2]  }
0x2a: {  	p0 =	seq.s32 s5, $0x0;
	s5 =	sld [smem:$0x3FB3]  }
0x2b: {  	s6 =	sld [smem:$0x3FB4]  }
0x2c: {  	s7 =	sld [smem:$0x3FB5]  }
0x2d: {  	s3 =	simm.s32 $0x108;
	s8 =	sld [smem:$0x3FB6]  }
0x2e: {  	s3 =	simm.s32 @!p0 $0x1082;
	s9 =	sld [smem:$0x3FB7]  }
0x2f: {  	lr =	sadd.s32 s0, s3;
	s0 =	sld [smem:$0x3FAE]  }
0x30: {  	s3 =	sld [smem:$0x3FB1]  }
0x31: {  	[smem:$0x3FBA] =	sst s10  }
0x32: {  	s10 =	sld [smem:$0x3FB8];
	_ =	sdelay $0x3  }
0x33: {  	p0 =	seq.s32 s10, $0x1;
	s10 =	sld [smem:$0x3FBA];
	_ =	sdelay $0x3  }
0x34: {  	[smem:$0x3FBA] =	sst s10  }
0x35: {  	s10 =	sld [smem:$0x3FB9];
	_ =	sdelay $0x3  }
0x36: {  	p1 =	seq.s32 s10, $0x1;
	s10 =	sld [smem:$0x3FBA];
	_ =	sdelay $0x3  }
0x37: {  	[smem:$0x3FBA] =	sst s10  }
0x38: {  	s10 =	sld [smem:$0x3FBB]  }
0x39: {  	_ = 	snop;
	(pc) =	sbr.ind lr, $3  }
0x3a: {  	_ = 	snop  }
0x3b: {  	_ = 	snop  }
0x3c: {  	p2 =	seq.s32 s10, $0x1;
	s10 =	sld [smem:$0x3FBA]  }
0x3d: {  	_ =	shalt  }
0x3e: {  	_ =	shalt  }
0x3f: {  	_ =	shalt  }
0x40: {  	_ =	shalt  }
0x41: {  	_ =	shalt  }
0x42: {  	_ =	shalt  }
0x43: {  	_ =	shalt  }
0x44: {  	_ =	shalt  }
0x45: {  	_ =	shalt  }
0x46: {  	_ =	shalt  }
0x47: {  	_ =	shalt  }
0x48: {  	_ =	shalt  }
0x49: {  	_ =	shalt  }
0x4a: {  	_ =	shalt  }
0x4b: {  	_ =	shalt  }
0x4c: {  	_ =	shalt  }
0x4d: {  	_ =	shalt  }
0x4e: {  	_ =	shalt  }
0x4f: {  	_ =	shalt  }
0x50: {  	_ =	shalt  }
0x51: {  	_ =	shalt  }
0x52: {  	_ =	shalt  }
0x53: {  	_ =	shalt  }
0x54: {  	_ =	shalt  }
0x55: {  	_ =	shalt  }
0x56: {  	_ =	shalt  }
0x57: {  	_ =	shalt  }
0x58: {  	_ =	shalt  }
0x59: {  	_ =	shalt  }
0x5a: {  	_ =	shalt  }
0x5b: {  	_ =	shalt  }
0x5c: {  	_ =	shalt  }
0x5d: {  	_ =	shalt  }
0x5e: {  	_ =	shalt  }
0x5f: {  	_ =	shalt  }
0x60: {  	_ =	shalt  }
0x61: {  	_ =	shalt  }
0x62: {  	_ =	shalt  }
0x63: {  	_ =	shalt  }
0x64: {  	_ =	shalt  }
0x65: {  	_ =	shalt  }
0x66: {  	_ =	shalt  }
0x67: {  	_ =	shalt  }
0x68: {  	_ =	shalt  }
0x69: {  	_ =	shalt  }
0x6a: {  	_ =	shalt  }
0x6b: {  	_ =	shalt  }
0x6c: {  	_ =	shalt  }
0x6d: {  	_ =	shalt  }
0x6e: {  	_ =	shalt  }
0x6f: {  	_ =	shalt  }
0x70: {  	_ =	shalt  }
0x71: {  	_ =	shalt  }
0x72: {  	_ =	shalt  }
0x73: {  	_ =	shalt  }
0x74: {  	_ =	shalt  }
0x75: {  	_ =	shalt  }
0x76: {  	_ =	shalt  }
0x77: {  	_ =	shalt  }
0x78: {  	_ =	shalt  }
0x79: {  	_ =	shalt  }
0x7a: {  	_ =	shalt  }
0x7b: {  	_ =	shalt  }
0x7c: {  	_ =	shalt  }
0x7d: {  	_ =	shalt  }
0x7e: {  	_ =	shalt  }
0x7f: {  	_ =	shalt  }
0x80: {  	_ =	shalt  }
0x81: {  	_ =	shalt  }
0x82: {  	_ =	shalt  }
0x83: {  	_ =	shalt  }
0x84: {  	_ =	shalt  }
0x85: {  	_ =	shalt  }
0x86: {  	_ =	shalt  }
0x87: {  	_ =	shalt  }
.Lfunc_end0:
.L_simem_size_0:
called_computation_lowered:
.L_overlay_start_0:
0x88: {  	s2 =	sld [smem:$0x3FD9]  }
0x89: {  	s3 =	sld [smem:$0x3FFE];
	_ =	sdelay $0x1  }
0x8a: {  	s1 =	srdreg.scid  }
0x8b: {  	s0 =	sand.u32 $0x1, s1  }
0x8c: {  	s16 =	sshll.u32 s0, $0xA;
	s2 =	sadd.s32 s3, s2  }
0x8d: {  	s2 =	sadd.s32 s2, s16  }
0x8e: {  	[smem:$0x3FC6] =	sst s2  }
0x8f: {  	_ = 	snop  }
0x90: {  	(tm) =	ssettm $0x1  }
0x91: {  	s17 =	sld [smem:$0x3FFB];
	_ =	sdelay $0x3  }
0x92: {  	_ =	strace s17  }
0x93: {  	s2 =	sld [smem:$0x3FFC];
	_ =	sdelay $0x3  }
0x94: {  	_ =	strace s2  }
0x95: {  	s2 =	sld [smem:$0x3FFD];
	_ =	sdelay $0x3  }
0x96: {  	_ =	strace s2  }
0x97: {  	_ =	strace $0x8FFFFFFF  }
0x98: {  	s18 =	sld [smem:$0x3FDB];
	_ =	sdelay $0x1  }
0x99: {  	s19 =	simm.s32 $_scs_section_size  }
0x9a: {  	s4 =	simm.s32 $_size__tile_overlayer_lowered;
	s5 =	simm.s32 $_tile_overlayer_lowered  }
0x9b: {  	s22 =	simm.s32 $0x1BFF;
	s21 =	sshll.u32 s5, $0x1;
	s2 =	sadd.s32 s19, s18  }
0x9c: {  	s6 =	simm.s32 $0x0;
	s20 =	sshll.u32 s4, $0x1;
	s4 =	sadd.s32 s21, s2  }
0x9d: {  	[timem:s6], [sflag:s22] =	dma.local [hbm:s4], s20  }
0x9e: {  	_ =	swait.ge [sflag:s22], s20  }
0x9f: {  	s3 =	ssub.s32 $0x0, s20;
	[sflag:s22] =	ssyncset.done $0x0  }
0xa0: {  	[sflag:s22] =	ssyncadd.s32 s3;
	_ =	sdelay $0x1  }
0xa1: {  	s23 =	simm.s32 $0x1B8B  }
0xa2: {  	_ =	swait.ge [sflag:s23], $0x1  }
0xa3: {  	[sflag:s23] =	ssyncset.done $0x0  }
0xa4: {  	s25 =	simm.s32 $0x1B8E;
	s24 =	sld [smem:$0x3FFE];
	[sflag:s23] =	ssyncadd.s32 $0xFFFFFFFF  }
0xa5: {  	s26 =	simm.s32 $execute0_lowered;
	[smem:$0x3FD2] =	sst s25  }
0xa6: {  	s4 =	sshll.u32 s26, $0x1;
	_ =	strace $0x80000046;
	[dreg:$0x1] =	wrdreg $0xFFFFFFFF  }
0xa7: {  	s28 =	simm.s32 $_size_execute0_lowered;
	s2 =	sadd.s32 s2, s4;
	[dreg:$0x0] =	wrdreg $0x0  }
0xa8: {  	s4 =	sshll.u32 s28, $0x1;
	[dreg:$0x2] =	wrdreg s2  }
0xa9: {  	[dreg:$0x3] =	wrdreg s4  }
0xaa: {  	[dreg:$0x4] =	wrdreg $0xC0  }
0xab: {  	_ =	task [dreg:s6], $0x5FFFF  }
0xac: {  	[dreg:$0x1] =	wrdreg $0xFFFFFFFF  }
0xad: {  	[dreg:$0x0] =	wrdreg $0x60  }
0xae: {  	[dreg:$0x2] =	wrdreg s24  }
0xaf: {  	[dreg:$0x3] =	wrdreg $0x9  }
0xb0: {  	_ =	task.clear_ibuf [dreg:s6], $0x4FFFF;
	_ =	strace $0x90000046  }
0xb1: {  	s29 =	simm.s32 $0x9;
	_ =	strace $0x80000048  }
0xb2: {  	_ =	swait.ge [sflag:s29], $0x1  }
0xb3: {  	[sflag:s29] =	ssyncadd.s32 $0xFFFFFFFF  }
0xb4: {  	_ =	strace $0x90000048  }
0xb5: {  	_ =	sfence  }
0xb6: {  	s30 =	sld [smem:$0x0];
	_ =	sdelay $0x2  }
0xb7: {  	s31 =	sshll.u32 s1, $0xD;
	s1 =	sshrl.u32 s1, $0x2  }
0xb8: {  	s3 =	sand.u32 $0x4000, s31;
	s1 =	sadd.s32 s1, s30  }
0xb9: {  	s0 =	sor.u32 s3, s0;
	s1 =	sshll.u32 s1, $0x11  }
0xba: {  	s0 =	sor.u32 s1, s0  }
0xbb: {  	s0 =	sadd.s32 $0x8F2B, s0  }
0xbc: {  	[sflag:s0] =	ssyncadd.remote.s32 $0x1  }
0xbd: {  	_ =	sfence.sel $0xFFFF  }
0xbe: {  	[dreg:$0x0] =	wrdreg $0xFFFFFFFF;
	(pc) =	sbr.abs _section_cstart, $3  }
0xbf: {  	[dreg:$0x1] =	wrdreg $0xFFFFFFFF  }
0xc0: {  	_ =	task.clear_ibuf [dreg:s6], $0x2FFFF;
	_ =	strace $0x9FFFFFFF  }
0xc1: {  	(tm) =	ssettm $0x7FFFFFFF  }
tec
execute0_lowered:
.L_overlay_start_1:
0x0: {  	(tag) =	ssettag $0x1  }
0x1: {  	s0 =	srdreg.scid  }
0x2: {  	s2 =	stileid.u32;
	s1 =	sand.u32 $0x1, s0  }
0x3: {  	s0 =	rddreg [dreg:$0x0];
	s3 =	sshll.u32 s2, $0xA;
	s2 =	simm.s32 $0x0  }
0x4: {  	s11 =	simm.s32 $0x80;
	[smem:$0x7FF] =	sst s2  }
0x5: {  	s12 =	simm.s32 $0x1080;
	_ =	strace $0x80000047;
	[dreg:$0x4] =	wrdreg s11  }
0x6: {  	s13 =	simm.s32 $0x100;
	[dreg:$0x5] =	wrdreg s12  }
0x7: {  	s14 =	simm.s32 $0x1100;
	[dreg:$0x6] =	wrdreg s13  }
0x8: {  	s15 =	simm.s32 $0x180;
	[dreg:$0x7] =	wrdreg s14  }
0x9: {  	s16 =	simm.s32 $0x1180;
	[dreg:$0x8] =	wrdreg s15  }
0xa: {  	s17 =	simm.s32 $0x200;
	[dreg:$0x9] =	wrdreg s16  }
0xb: {  	s18 =	simm.s32 $0x1200;
	[dreg:$0xa] =	wrdreg s17  }
0xc: {  	s19 =	simm.s32 $0x280;
	[dreg:$0xb] =	wrdreg s18  }
0xd: {  	s20 =	simm.s32 $0x1280;
	[dreg:$0xc] =	wrdreg s19  }
0xe: {  	s21 =	simm.s32 $0x300;
	[dreg:$0xd] =	wrdreg s20  }
0xf: {  	s22 =	simm.s32 $0x1300;
	[dreg:$0xe] =	wrdreg s21  }
0x10: {  	s23 =	simm.s32 $0x380;
	[dreg:$0xf] =	wrdreg s22  }
0x11: {  	s24 =	simm.s32 $0x1380;
	[dreg:$0x10] =	wrdreg s23  }
0x12: {  	s25 =	simm.s32 $0x400;
	[dreg:$0x11] =	wrdreg s24  }
0x13: {  	s26 =	simm.s32 $0x1400;
	[dreg:$0x12] =	wrdreg s25  }
0x14: {  	s28 =	simm.s32 $0x480;
	[dreg:$0x13] =	wrdreg s26  }
0x15: {  	s5 =	simm.s32 $0x500;
	[dreg:$0x14] =	wrdreg s28  }
0x16: {  	s6 =	simm.s32 $0x1500;
	[dreg:$0x16] =	wrdreg s5  }
0x17: {  	s7 =	simm.s32 $0x580;
	[dreg:$0x17] =	wrdreg s6  }
0x18: {  	s8 =	simm.s32 $0x1580;
	[dreg:$0x18] =	wrdreg s7  }
0x19: {  	s9 =	simm.s32 $0x600;
	s4 =	sshll.u32 s1, $0x9;
	[dreg:$0x19] =	wrdreg s8  }
0x1a: {  	s3 =	sor.u32 s4, s3;
	s4 =	simm.s32 $0x1480;
	[dreg:$0x1a] =	wrdreg s9  }
0x1b: {  	s11 =	simm.s32 $0x680;
	[dreg:$0x15] =	wrdreg s4  }
0x1c: {  	s12 =	simm.s32 $0x1680;
	[dreg:$0x1c] =	wrdreg s11  }
0x1d: {  	s13 =	simm.s32 $0x700;
	[dreg:$0x1d] =	wrdreg s12  }
0x1e: {  	s14 =	simm.s32 $0x1700;
	[dreg:$0x1e] =	wrdreg s13  }
0x1f: {  	s15 =	simm.s32 $0x780;
	[dreg:$0x1f] =	wrdreg s14  }
0x20: {  	s16 =	simm.s32 $0x1780;
	[smem:$0x7F8] =	sst s15  }
0x21: {  	s17 =	simm.s32 $0x800;
	[smem:$0x7F7] =	sst s16  }
0x22: {  	s18 =	simm.s32 $0x1800;
	[smem:$0x7F9] =	sst s17  }
0x23: {  	s19 =	simm.s32 $0x880;
	[smem:$0x7F6] =	sst s18  }
0x24: {  	s20 =	simm.s32 $0x1880;
	[smem:$0x7FA] =	sst s19  }
0x25: {  	s21 =	simm.s32 $0x900;
	[smem:$0x7F5] =	sst s20  }
0x26: {  	s22 =	simm.s32 $0x1900;
	[smem:$0x7FB] =	sst s21  }
0x27: {  	s23 =	simm.s32 $0x980;
	[smem:$0x7F4] =	sst s22  }
0x28: {  	s24 =	simm.s32 $0x1980;
	[smem:$0x7FC] =	sst s23  }
0x29: {  	s5 =	simm.s32 $0xA00;
	s3 =	sadd.s32 s3, s0;
	[smem:$0x7F3] =	sst s24  }
0x2a: {  	[smem:$0x7FD] =	sst s5;
	s10 =	sadd.s32 $0x21000, s3  }
0x2b: {  	s3 =	sadd.s32 $0x25000, s3;
	[dreg:$0x2] =	wrdreg s10  }
0x2c: {  	[dreg:$0x3] =	wrdreg s3;
	s10 =	simm.s32 $0x1600  }
0x2d: {  	[dreg:$0x1b] =	wrdreg s10  }
0x2e: {  	s3 =	simm.s32 $0x2;
	s4 =	rddreg [dreg:$0x2]  }
0x2f: {  	[tilespmem:s2], [sflag:$0x2] =	stream.linear.gather [hbm4b:s4+s2], $0x1000, $0x38;
	[tilespmem:$0x2000] =	vst v63  }
0x30: {  	_ =	swait.ge [sflag:s3], $0x1000  }
0x31: {  	s7 =	sld [smem:$0x7F3]  }
0x32: {  	s8 =	sld [smem:$0x7F4]  }
0x33: {  	s9 =	sld [smem:$0x7F5]  }
0x34: {  	s10 =	sld [smem:$0x7F6]  }
0x35: {  	s11 =	sld [smem:$0x7F7]  }
0x36: {  	s12 =	rddreg [dreg:$0x1f]  }
0x37: {  	s13 =	rddreg [dreg:$0x1d]  }
0x38: {  	s14 =	rddreg [dreg:$0x1b]  }
0x39: {  	s15 =	rddreg [dreg:$0x19]  }
0x3a: {  	s16 =	rddreg [dreg:$0x17]  }
0x3b: {  	s17 =	rddreg [dreg:$0x15]  }
0x3c: {  	s18 =	rddreg [dreg:$0x13]  }
0x3d: {  	s19 =	rddreg [dreg:$0x11]  }
0x3e: {  	s20 =	rddreg [dreg:$0xf]  }
0x3f: {  	s25 =	rddreg [dreg:$0x6]  }
0x40: {  	s21 =	rddreg [dreg:$0x4]  }
0x41: {  	s22 =	rddreg [dreg:$0x5]  }
0x42: {  	s6 =	simm.s32 $0x38;
	s23 =	rddreg [dreg:$0x7]  }
0x43: {  	s5 =	sadd.s32 $0x1000, s0;
	[sflag:s3] =	ssyncset.done $0x0;
	s26 =	rddreg [dreg:$0x8]  }
0x44: {  	s4 =	simm.s32 $0x1000;
	s28 =	rddreg [dreg:$0x9];
	[sflag:s3] =	ssyncadd.s32 $0xFFFFF000  }
0x45: {  	[tilespmem:s4], [sflag:$0x1] =	stream.indirect.gather [hbm4b:s5+s6], $0x1, s2, s6, $0xb8;
	[tilespmem:$0x2000] =	vst v63  }
0x46: {  	s24 =	rddreg [dreg:$0xa]  }
0x47: {  	[tilespmem:s22], [sflag:$0x1] =	stream.indirect.gather [hbm4b:s5+s6], $0x1, s21, s6, $0xb8;
	[tilespmem:$0x2000] =	vst v63  }
0x48: {  	s21 =	sld [smem:$0x7F8]  }
0x49: {  	[tilespmem:s23], [sflag:$0x1] =	stream.indirect.gather [hbm4b:s5+s6], $0x1, s25, s6, $0xb8;
	[tilespmem:$0x2000] =	vst v63  }
0x4a: {  	s23 =	rddreg [dreg:$0xb]  }
0x4b: {  	[tilespmem:s28], [sflag:$0x1] =	stream.indirect.gather [hbm4b:s5+s6], $0x1, s26, s6, $0xb8;
	[tilespmem:$0x2000] =	vst v63  }
0x4c: {  	s25 =	rddreg [dreg:$0xd]  }
0x4d: {  	[tilespmem:s23], [sflag:$0x1] =	stream.indirect.gather [hbm4b:s5+s6], $0x1, s24, s6, $0xb8;
	[tilespmem:$0x2000] =	vst v63  }
0x4e: {  	s26 =	rddreg [dreg:$0xc]  }
0x4f: {  	[tilespmem:s25], [sflag:$0x1] =	stream.indirect.gather [hbm4b:s5+s6], $0x1, s26, s6, $0xb8;
	[tilespmem:$0x2000] =	vst v63  }
0x50: {  	s28 =	rddreg [dreg:$0xe]  }
0x51: {  	[tilespmem:s20], [sflag:$0x1] =	stream.indirect.gather [hbm4b:s5+s6], $0x1, s28, s6, $0xb8;
	[tilespmem:$0x2000] =	vst v63  }
0x52: {  	s23 =	rddreg [dreg:$0x10]  }
0x53: {  	[tilespmem:s19], [sflag:$0x1] =	stream.indirect.gather [hbm4b:s5+s6], $0x1, s23, s6, $0xb8;
	[tilespmem:$0x2000] =	vst v63  }
0x54: {  	s24 =	rddreg [dreg:$0x12]  }
0x55: {  	[tilespmem:s18], [sflag:$0x1] =	stream.indirect.gather [hbm4b:s5+s6], $0x1, s24, s6, $0xb8;
	[tilespmem:$0x2000] =	vst v63  }
0x56: {  	s25 =	rddreg [dreg:$0x14]  }
0x57: {  	[tilespmem:s17], [sflag:$0x1] =	stream.indirect.gather [hbm4b:s5+s6], $0x1, s25, s6, $0xb8;
	[tilespmem:$0x2000] =	vst v63  }
0x58: {  	s26 =	rddreg [dreg:$0x16]  }
0x59: {  	[tilespmem:s16], [sflag:$0x1] =	stream.indirect.gather [hbm4b:s5+s6], $0x1, s26, s6, $0xb8;
	[tilespmem:$0x2000] =	vst v63  }
0x5a: {  	s28 =	rddreg [dreg:$0x18]  }
0x5b: {  	[tilespmem:s15], [sflag:$0x1] =	stream.indirect.gather [hbm4b:s5+s6], $0x1, s28, s6, $0xb8;
	[tilespmem:$0x2000] =	vst v63  }
0x5c: {  	s18 =	rddreg [dreg:$0x1a]  }
0x5d: {  	[tilespmem:s14], [sflag:$0x1] =	stream.indirect.gather [hbm4b:s5+s6], $0x1, s18, s6, $0xb8;
	[tilespmem:$0x2000] =	vst v63  }
0x5e: {  	s19 =	rddreg [dreg:$0x1c]  }
0x5f: {  	[tilespmem:s13], [sflag:$0x1] =	stream.indirect.gather [hbm4b:s5+s6], $0x1, s19, s6, $0xb8;
	[tilespmem:$0x2000] =	vst v63  }
0x60: {  	s20 =	rddreg [dreg:$0x1e]  }
0x61: {  	[tilespmem:s12], [sflag:$0x1] =	stream.indirect.gather [hbm4b:s5+s6], $0x1, s20, s6, $0xb8;
	[tilespmem:$0x2000] =	vst v63  }
0x62: {  	s22 =	sld [smem:$0x7F9]  }
0x63: {  	[tilespmem:s11], [sflag:$0x1] =	stream.indirect.gather [hbm4b:s5+s6], $0x1, s21, s6, $0xb8;
	[tilespmem:$0x2000] =	vst v63  }
0x64: {  	s23 =	sld [smem:$0x7FA]  }
0x65: {  	[tilespmem:s10], [sflag:$0x1] =	stream.indirect.gather [hbm4b:s5+s6], $0x1, s22, s6, $0xb8;
	[tilespmem:$0x2000] =	vst v63  }
0x66: {  	s24 =	sld [smem:$0x7FB]  }
0x67: {  	[tilespmem:s9], [sflag:$0x1] =	stream.indirect.gather [hbm4b:s5+s6], $0x1, s23, s6, $0xb8;
	[tilespmem:$0x2000] =	vst v63  }
0x68: {  	s25 =	sld [smem:$0x7FC]  }
0x69: {  	[tilespmem:s8], [sflag:$0x1] =	stream.indirect.gather [hbm4b:s5+s6], $0x1, s24, s6, $0xb8;
	[tilespmem:$0x2000] =	vst v63  }
0x6a: {  	s26 =	sld [smem:$0x7FD]  }
0x6b: {  	[tilespmem:s7], [sflag:$0x1] =	stream.indirect.gather [hbm4b:s5+s6], $0x1, s25, s6, $0xb8;
	[tilespmem:$0x2000] =	vst v63  }
0x6c: {  	s28 =	simm.s32 $0x1A00  }
0x6d: {  	[tilespmem:s28], [sflag:$0x1] =	stream.indirect.gather [hbm4b:s5+s6], $0x1, s26, s6, $0xb8;
	[tilespmem:$0x2000] =	vst v63  }
0x6e: {  	s8 =	simm.s32 $0x1A80;
	s7 =	simm.s32 $0xA80  }
0x6f: {  	[tilespmem:s8], [sflag:$0x1] =	stream.indirect.gather [hbm4b:s5+s6], $0x1, s7, s6, $0xb8;
	[tilespmem:$0x2000] =	vst v63  }
0x70: {  	s10 =	simm.s32 $0x1B00;
	s9 =	simm.s32 $0xB00  }
0x71: {  	[tilespmem:s10], [sflag:$0x1] =	stream.indirect.gather [hbm4b:s5+s6], $0x1, s9, s6, $0xb8;
	[tilespmem:$0x2000] =	vst v63  }
0x72: {  	s12 =	simm.s32 $0x1B80;
	s11 =	simm.s32 $0xB80  }
0x73: {  	[tilespmem:s12], [sflag:$0x1] =	stream.indirect.gather [hbm4b:s5+s6], $0x1, s11, s6, $0xb8;
	[tilespmem:$0x2000] =	vst v63  }
0x74: {  	s14 =	simm.s32 $0x1C00;
	s13 =	simm.s32 $0xC00  }
0x75: {  	[tilespmem:s14], [sflag:$0x1] =	stream.indirect.gather [hbm4b:s5+s6], $0x1, s13, s6, $0xb8;
	[tilespmem:$0x2000] =	vst v63  }
0x76: {  	s16 =	simm.s32 $0x1C80;
	s15 =	simm.s32 $0xC80  }
0x77: {  	[tilespmem:s16], [sflag:$0x1] =	stream.indirect.gather [hbm4b:s5+s6], $0x1, s15, s6, $0xb8;
	[tilespmem:$0x2000] =	vst v63  }
0x78: {  	s17 =	simm.s32 $0xD00;
	s18 =	simm.s32 $0x1D00  }
0x79: {  	[tilespmem:s18], [sflag:$0x1] =	stream.indirect.gather [hbm4b:s5+s6], $0x1, s17, s6, $0xb8;
	[tilespmem:$0x2000] =	vst v63  }
0x7a: {  	s19 =	simm.s32 $0xD80;
	s20 =	simm.s32 $0x1D80  }
0x7b: {  	[tilespmem:s20], [sflag:$0x1] =	stream.indirect.gather [hbm4b:s5+s6], $0x1, s19, s6, $0xb8;
	[tilespmem:$0x2000] =	vst v63  }
0x7c: {  	s21 =	simm.s32 $0xE00;
	s22 =	simm.s32 $0x1E00  }
0x7d: {  	[tilespmem:s22], [sflag:$0x1] =	stream.indirect.gather [hbm4b:s5+s6], $0x1, s21, s6, $0xb8;
	[tilespmem:$0x2000] =	vst v63  }
0x7e: {  	s23 =	simm.s32 $0xE80;
	s24 =	simm.s32 $0x1E80  }
0x7f: {  	[tilespmem:s24], [sflag:$0x1] =	stream.indirect.gather [hbm4b:s5+s6], $0x1, s23, s6, $0xb8;
	[tilespmem:$0x2000] =	vst v63  }
0x80: {  	s25 =	simm.s32 $0xF00;
	s26 =	simm.s32 $0x1F00  }
0x81: {  	[tilespmem:s26], [sflag:$0x1] =	stream.indirect.gather [hbm4b:s5+s6], $0x1, s25, s6, $0xb8;
	[tilespmem:$0x2000] =	vst v63  }
0x82: {  	s30 =	simm.s32 $0xF80;
	s31 =	simm.s32 $0x1F80;
	s20 =	simm.s32 $0x1  }
0x83: {  	[tilespmem:s31], [sflag:$0x1] =	stream.indirect.gather [hbm4b:s5+s6], $0x1, s30, s6, $0xb8;
	[tilespmem:$0x2000] =	vst v63  }
0x84: {  	_ =	swait.ge [sflag:s20], $0x38  }
0x85: {  	[sflag:s20] =	ssyncset.done $0x0  }
0x86: {  	[sflag:s20] =	ssyncadd.s32 $0xFFFFFFC8  }
0x87: {  	_ =	swait.ge [sflag:s20], $0x38  }
0x88: {  	[sflag:s20] =	ssyncset.done $0x0  }
0x89: {  	[sflag:s20] =	ssyncadd.s32 $0xFFFFFFC8  }
0x8a: {  	_ =	swait.ge [sflag:s20], $0x38  }
0x8b: {  	[sflag:s20] =	ssyncset.done $0x0  }
0x8c: {  	[sflag:s20] =	ssyncadd.s32 $0xFFFFFFC8  }
0x8d: {  	_ =	swait.ge [sflag:s20], $0x38  }
0x8e: {  	[sflag:s20] =	ssyncset.done $0x0  }
0x8f: {  	[sflag:s20] =	ssyncadd.s32 $0xFFFFFFC8  }
0x90: {  	_ =	swait.ge [sflag:s20], $0x38  }
0x91: {  	[sflag:s20] =	ssyncset.done $0x0  }
0x92: {  	[sflag:s20] =	ssyncadd.s32 $0xFFFFFFC8  }
0x93: {  	_ =	swait.ge [sflag:s20], $0x38  }
0x94: {  	[sflag:s20] =	ssyncset.done $0x0  }
0x95: {  	[sflag:s20] =	ssyncadd.s32 $0xFFFFFFC8  }
0x96: {  	_ =	swait.ge [sflag:s20], $0x38  }
0x97: {  	[sflag:s20] =	ssyncset.done $0x0  }
0x98: {  	[sflag:s20] =	ssyncadd.s32 $0xFFFFFFC8  }
0x99: {  	_ =	swait.ge [sflag:s20], $0x38  }
0x9a: {  	[sflag:s20] =	ssyncset.done $0x0  }
0x9b: {  	[sflag:s20] =	ssyncadd.s32 $0xFFFFFFC8  }
0x9c: {  	_ =	swait.ge [sflag:s20], $0x38  }
0x9d: {  	[sflag:s20] =	ssyncset.done $0x0  }
0x9e: {  	[sflag:s20] =	ssyncadd.s32 $0xFFFFFFC8  }
0x9f: {  	_ =	swait.ge [sflag:s20], $0x38  }
0xa0: {  	[sflag:s20] =	ssyncset.done $0x0  }
0xa1: {  	[sflag:s20] =	ssyncadd.s32 $0xFFFFFFC8  }
0xa2: {  	_ =	swait.ge [sflag:s20], $0x38  }
0xa3: {  	[sflag:s20] =	ssyncset.done $0x0  }
0xa4: {  	[sflag:s20] =	ssyncadd.s32 $0xFFFFFFC8  }
0xa5: {  	_ =	swait.ge [sflag:s20], $0x38  }
0xa6: {  	[sflag:s20] =	ssyncset.done $0x0  }
0xa7: {  	[sflag:s20] =	ssyncadd.s32 $0xFFFFFFC8  }
0xa8: {  	_ =	swait.ge [sflag:s20], $0x38  }
0xa9: {  	[sflag:s20] =	ssyncset.done $0x0  }
0xaa: {  	[sflag:s20] =	ssyncadd.s32 $0xFFFFFFC8  }
0xab: {  	_ =	swait.ge [sflag:s20], $0x38  }
0xac: {  	[sflag:s20] =	ssyncset.done $0x0  }
0xad: {  	[sflag:s20] =	ssyncadd.s32 $0xFFFFFFC8  }
0xae: {  	_ =	swait.ge [sflag:s20], $0x38  }
0xaf: {  	[sflag:s20] =	ssyncset.done $0x0  }
0xb0: {  	[sflag:s20] =	ssyncadd.s32 $0xFFFFFFC8  }
0xb1: {  	_ =	swait.ge [sflag:s20], $0x38  }
0xb2: {  	[sflag:s20] =	ssyncset.done $0x0  }
0xb3: {  	[sflag:s20] =	ssyncadd.s32 $0xFFFFFFC8  }
0xb4: {  	_ =	swait.ge [sflag:s20], $0x38  }
0xb5: {  	[sflag:s20] =	ssyncset.done $0x0  }
0xb6: {  	[sflag:s20] =	ssyncadd.s32 $0xFFFFFFC8  }
0xb7: {  	_ =	swait.ge [sflag:s20], $0x38  }
0xb8: {  	[sflag:s20] =	ssyncset.done $0x0  }
0xb9: {  	[sflag:s20] =	ssyncadd.s32 $0xFFFFFFC8  }
0xba: {  	_ =	swait.ge [sflag:s20], $0x38  }
0xbb: {  	[sflag:s20] =	ssyncset.done $0x0  }
0xbc: {  	[sflag:s20] =	ssyncadd.s32 $0xFFFFFFC8  }
0xbd: {  	_ =	swait.ge [sflag:s20], $0x38  }
0xbe: {  	[sflag:s20] =	ssyncset.done $0x0  }
0xbf: {  	[sflag:s20] =	ssyncadd.s32 $0xFFFFFFC8  }
0xc0: {  	_ =	swait.ge [sflag:s20], $0x38  }
0xc1: {  	[sflag:s20] =	ssyncset.done $0x0  }
0xc2: {  	[sflag:s20] =	ssyncadd.s32 $0xFFFFFFC8  }
0xc3: {  	_ =	swait.ge [sflag:s20], $0x38  }
0xc4: {  	[sflag:s20] =	ssyncset.done $0x0  }
0xc5: {  	[sflag:s20] =	ssyncadd.s32 $0xFFFFFFC8  }
0xc6: {  	_ =	swait.ge [sflag:s20], $0x38  }
0xc7: {  	[sflag:s20] =	ssyncset.done $0x0  }
0xc8: {  	[sflag:s20] =	ssyncadd.s32 $0xFFFFFFC8  }
0xc9: {  	_ =	swait.ge [sflag:s20], $0x38  }
0xca: {  	[sflag:s20] =	ssyncset.done $0x0  }
0xcb: {  	[sflag:s20] =	ssyncadd.s32 $0xFFFFFFC8  }
0xcc: {  	s28 =	ssub.s32 $0x2, s1;
	_ =	swait.ge [sflag:s20], $0x38  }
0xcd: {  	s1 =	sshrl.u32 s28, $0x1;
	[sflag:s20] =	ssyncset.done $0x0  }
0xce: {  	s0 =	ssub.s32 s28, s1;
	[sflag:s20] =	ssyncadd.s32 $0xFFFFFFC8  }
0xcf: {  	s0 =	smax.u32 s0, $0x1;
	_ =	swait.ge [sflag:s20], $0x38  }
0xd0: {  	p0 =	sne.s32 s0, $0x1;
	[sflag:s20] =	ssyncset.done $0x0  }
.Ltmp0:
0xd1: {  	[sflag:s20] =	ssyncadd.s32 $0xFFFFFFC8;
	(pc) =	sbr.rel @!p0 .LBB2_2-.Ltmp0, $4  }
0xd2: {  	_ =	swait.ge [sflag:s20], $0x38  }
0xd3: {  	[sflag:s20] =	ssyncset.done $0x0  }
0xd4: {  	[sflag:s20] =	ssyncadd.s32 $0xFFFFFFC8  }
0xd5: {  	s29 =	simm.s32 $0x1F00;
	s1 =	sadd.s32 $0xFFFFFFFF, s0;
	_ =	swait.ge [sflag:s20], $0x38  }
.LBB2_1:
0xd6: {  	[sflag:s20] =	ssyncset.done $0x0  }
0xd7: {  	[sflag:s20] =	ssyncadd.s32 $0xFFFFFFC8  }
0xd8: {  	_ =	swait.ge [sflag:s20], $0x38  }
0xd9: {  	[sflag:s20] =	ssyncset.done $0x0  }
0xda: {  	[sflag:s20] =	ssyncadd.s32 $0xFFFFFFC8  }
0xdb: {  	_ =	swait.ge [sflag:s20], $0x38  }
0xdc: {  	[sflag:s20] =	ssyncset.done $0x0  }
0xdd: {  	[sflag:s20] =	ssyncadd.s32 $0xFFFFFFC8  }
0xde: {  	_ =	swait.ge [sflag:s20], $0x38  }
0xdf: {  	[sflag:s20] =	ssyncset.done $0x0  }
0xe0: {  	[sflag:s20] =	ssyncadd.s32 $0xFFFFFFC8  }
0xe1: {  	_ =	swait.ge [sflag:s20], $0x38  }
0xe2: {  	[sflag:s20] =	ssyncset.done $0x0  }
0xe3: {  	s0 =	rddreg [dreg:$0x3];
	[sflag:s20] =	ssyncadd.s32 $0xFFFFFFC8  }
0xe4: {  	[hbm4b:s0+s2] =	stream.linear.scatter [tilespmem:s4], [sflag:$0x2], $0x1000, $0x38;
	[tilespmem:$0x2000] =	vst v63  }
0xe5: {  	_ =	swait.ge [sflag:s3], $0x1000  }
0xe6: {  	[sflag:s3] =	ssyncset.done $0x0  }
0xe7: {  	s25 =	rddreg [dreg:$0x2];
	[sflag:s3] =	ssyncadd.s32 $0xFFFFF000  }
0xe8: {  	[tilespmem:s2], [sflag:$0x2] =	stream.linear.gather [hbm4b:s25+s2], $0x1000, $0x38;
	[tilespmem:$0x2000] =	vst v63  }
0xe9: {  	_ =	swait.ge [sflag:s3], $0x1000  }
0xea: {  	s0 =	sld [smem:$0x7F3]  }
0xeb: {  	s7 =	sld [smem:$0x7F4]  }
0xec: {  	s8 =	sld [smem:$0x7F5]  }
0xed: {  	s9 =	sld [smem:$0x7F6]  }
0xee: {  	s10 =	sld [smem:$0x7F7]  }
0xef: {  	s11 =	rddreg [dreg:$0x1f]  }
0xf0: {  	s12 =	rddreg [dreg:$0x1d]  }
0xf1: {  	s13 =	rddreg [dreg:$0x1b]  }
0xf2: {  	s14 =	rddreg [dreg:$0x19]  }
0xf3: {  	s15 =	rddreg [dreg:$0x17]  }
0xf4: {  	s16 =	rddreg [dreg:$0x15]  }
0xf5: {  	s17 =	rddreg [dreg:$0x13]  }
0xf6: {  	s18 =	rddreg [dreg:$0x11]  }
0xf7: {  	s19 =	rddreg [dreg:$0xf]  }
0xf8: {  	s21 =	rddreg [dreg:$0xd]  }
0xf9: {  	s22 =	rddreg [dreg:$0xb]  }
0xfa: {  	s23 =	rddreg [dreg:$0x8]  }
0xfb: {  	s24 =	rddreg [dreg:$0x6]  }
0xfc: {  	[sflag:s3] =	ssyncset.done $0x0;
	s25 =	rddreg [dreg:$0x4]  }
0xfd: {  	s26 =	rddreg [dreg:$0x5];
	[sflag:s3] =	ssyncadd.s32 $0xFFFFF000  }
0xfe: {  	[tilespmem:s4], [sflag:$0x1] =	stream.indirect.gather [hbm4b:s5+s6], $0x1, s2, s6, $0xb8;
	[tilespmem:$0x2000] =	vst v63  }
0xff: {  	s28 =	rddreg [dreg:$0x7]  }
0x100: {  	[tilespmem:s26], [sflag:$0x1] =	stream.indirect.gather [hbm4b:s5+s6], $0x1, s25, s6, $0xb8;
	[tilespmem:$0x2000] =	vst v63  }
0x101: {  	s26 =	rddreg [dreg:$0x9]  }
0x102: {  	[tilespmem:s28], [sflag:$0x1] =	stream.indirect.gather [hbm4b:s5+s6], $0x1, s24, s6, $0xb8;
	[tilespmem:$0x2000] =	vst v63  }
0x103: {  	s25 =	rddreg [dreg:$0x14]  }
0x104: {  	[tilespmem:s26], [sflag:$0x1] =	stream.indirect.gather [hbm4b:s5+s6], $0x1, s23, s6, $0xb8;
	[tilespmem:$0x2000] =	vst v63  }
0x105: {  	s28 =	rddreg [dreg:$0xa]  }
0x106: {  	[tilespmem:s22], [sflag:$0x1] =	stream.indirect.gather [hbm4b:s5+s6], $0x1, s28, s6, $0xb8;
	[tilespmem:$0x2000] =	vst v63  }
0x107: {  	s26 =	rddreg [dreg:$0xc]  }
0x108: {  	[tilespmem:s21], [sflag:$0x1] =	stream.indirect.gather [hbm4b:s5+s6], $0x1, s26, s6, $0xb8;
	[tilespmem:$0x2000] =	vst v63  }
0x109: {  	s28 =	rddreg [dreg:$0xe]  }
0x10a: {  	[tilespmem:s19], [sflag:$0x1] =	stream.indirect.gather [hbm4b:s5+s6], $0x1, s28, s6, $0xb8;
	[tilespmem:$0x2000] =	vst v63  }
0x10b: {  	s23 =	rddreg [dreg:$0x10]  }
0x10c: {  	[tilespmem:s18], [sflag:$0x1] =	stream.indirect.gather [hbm4b:s5+s6], $0x1, s23, s6, $0xb8;
	[tilespmem:$0x2000] =	vst v63  }
0x10d: {  	s24 =	rddreg [dreg:$0x12]  }
0x10e: {  	[tilespmem:s17], [sflag:$0x1] =	stream.indirect.gather [hbm4b:s5+s6], $0x1, s24, s6, $0xb8;
	[tilespmem:$0x2000] =	vst v63  }
0x10f: {  	s26 =	rddreg [dreg:$0x16]  }
0x110: {  	[tilespmem:s16], [sflag:$0x1] =	stream.indirect.gather [hbm4b:s5+s6], $0x1, s25, s6, $0xb8;
	[tilespmem:$0x2000] =	vst v63  }
0x111: {  	s21 =	sld [smem:$0x7F8]  }
0x112: {  	[tilespmem:s15], [sflag:$0x1] =	stream.indirect.gather [hbm4b:s5+s6], $0x1, s26, s6, $0xb8;
	[tilespmem:$0x2000] =	vst v63  }
0x113: {  	s28 =	rddreg [dreg:$0x18]  }
0x114: {  	[tilespmem:s14], [sflag:$0x1] =	stream.indirect.gather [hbm4b:s5+s6], $0x1, s28, s6, $0xb8;
	[tilespmem:$0x2000] =	vst v63  }
0x115: {  	s17 =	rddreg [dreg:$0x1a]  }
0x116: {  	[tilespmem:s13], [sflag:$0x1] =	stream.indirect.gather [hbm4b:s5+s6], $0x1, s17, s6, $0xb8;
	[tilespmem:$0x2000] =	vst v63  }
0x117: {  	s18 =	rddreg [dreg:$0x1c]  }
0x118: {  	[tilespmem:s12], [sflag:$0x1] =	stream.indirect.gather [hbm4b:s5+s6], $0x1, s18, s6, $0xb8;
	[tilespmem:$0x2000] =	vst v63  }
0x119: {  	s19 =	rddreg [dreg:$0x1e]  }
0x11a: {  	[tilespmem:s11], [sflag:$0x1] =	stream.indirect.gather [hbm4b:s5+s6], $0x1, s19, s6, $0xb8;
	[tilespmem:$0x2000] =	vst v63  }
0x11b: {  	s22 =	sld [smem:$0x7F9]  }
0x11c: {  	[tilespmem:s10], [sflag:$0x1] =	stream.indirect.gather [hbm4b:s5+s6], $0x1, s21, s6, $0xb8;
	[tilespmem:$0x2000] =	vst v63  }
0x11d: {  	s23 =	sld [smem:$0x7FA]  }
0x11e: {  	[tilespmem:s9], [sflag:$0x1] =	stream.indirect.gather [hbm4b:s5+s6], $0x1, s22, s6, $0xb8;
	[tilespmem:$0x2000] =	vst v63  }
0x11f: {  	s24 =	sld [smem:$0x7FB]  }
0x120: {  	[tilespmem:s8], [sflag:$0x1] =	stream.indirect.gather [hbm4b:s5+s6], $0x1, s23, s6, $0xb8;
	[tilespmem:$0x2000] =	vst v63  }
0x121: {  	s25 =	sld [smem:$0x7FC]  }
0x122: {  	[tilespmem:s7], [sflag:$0x1] =	stream.indirect.gather [hbm4b:s5+s6], $0x1, s24, s6, $0xb8;
	[tilespmem:$0x2000] =	vst v63  }
0x123: {  	s26 =	sld [smem:$0x7FD]  }
0x124: {  	[tilespmem:s0], [sflag:$0x1] =	stream.indirect.gather [hbm4b:s5+s6], $0x1, s25, s6, $0xb8;
	[tilespmem:$0x2000] =	vst v63  }
0x125: {  	s28 =	simm.s32 $0x1A00  }
0x126: {  	[tilespmem:s28], [sflag:$0x1] =	stream.indirect.gather [hbm4b:s5+s6], $0x1, s26, s6, $0xb8;
	[tilespmem:$0x2000] =	vst v63  }
0x127: {  	s9 =	simm.s32 $0x1A80;
	s8 =	simm.s32 $0xA80  }
0x128: {  	[tilespmem:s9], [sflag:$0x1] =	stream.indirect.gather [hbm4b:s5+s6], $0x1, s8, s6, $0xb8;
	[tilespmem:$0x2000] =	vst v63  }
0x129: {  	s11 =	simm.s32 $0x1B00;
	s10 =	simm.s32 $0xB00  }
0x12a: {  	[tilespmem:s11], [sflag:$0x1] =	stream.indirect.gather [hbm4b:s5+s6], $0x1, s10, s6, $0xb8;
	[tilespmem:$0x2000] =	vst v63  }
0x12b: {  	s13 =	simm.s32 $0x1B80;
	s12 =	simm.s32 $0xB80  }
0x12c: {  	[tilespmem:s13], [sflag:$0x1] =	stream.indirect.gather [hbm4b:s5+s6], $0x1, s12, s6, $0xb8;
	[tilespmem:$0x2000] =	vst v63  }
0x12d: {  	s15 =	simm.s32 $0x1C00;
	s14 =	simm.s32 $0xC00  }
0x12e: {  	[tilespmem:s15], [sflag:$0x1] =	stream.indirect.gather [hbm4b:s5+s6], $0x1, s14, s6, $0xb8;
	[tilespmem:$0x2000] =	vst v63  }
0x12f: {  	s16 =	simm.s32 $0xC80;
	s17 =	simm.s32 $0x1C80  }
0x130: {  	[tilespmem:s17], [sflag:$0x1] =	stream.indirect.gather [hbm4b:s5+s6], $0x1, s16, s6, $0xb8;
	[tilespmem:$0x2000] =	vst v63  }
0x131: {  	s18 =	simm.s32 $0xD00;
	s19 =	simm.s32 $0x1D00  }
0x132: {  	[tilespmem:s19], [sflag:$0x1] =	stream.indirect.gather [hbm4b:s5+s6], $0x1, s18, s6, $0xb8;
	[tilespmem:$0x2000] =	vst v63  }
0x133: {  	s21 =	simm.s32 $0xD80;
	s22 =	simm.s32 $0x1D80  }
0x134: {  	[tilespmem:s22], [sflag:$0x1] =	stream.indirect.gather [hbm4b:s5+s6], $0x1, s21, s6, $0xb8;
	[tilespmem:$0x2000] =	vst v63  }
0x135: {  	s23 =	simm.s32 $0xE00;
	s24 =	simm.s32 $0x1E00  }
0x136: {  	[tilespmem:s24], [sflag:$0x1] =	stream.indirect.gather [hbm4b:s5+s6], $0x1, s23, s6, $0xb8;
	[tilespmem:$0x2000] =	vst v63  }
0x137: {  	s25 =	simm.s32 $0xE80;
	s26 =	simm.s32 $0x1E80  }
0x138: {  	[tilespmem:s26], [sflag:$0x1] =	stream.indirect.gather [hbm4b:s5+s6], $0x1, s25, s6, $0xb8;
	[tilespmem:$0x2000] =	vst v63  }
0x139: {  	s28 =	simm.s32 $0xF00  }
0x13a: {  	[tilespmem:s29], [sflag:$0x1] =	stream.indirect.gather [hbm4b:s5+s6], $0x1, s28, s6, $0xb8;
	[tilespmem:$0x2000] =	vst v63  }
0x13b: {  	_ = 	snop  }
0x13c: {  	[tilespmem:s31], [sflag:$0x1] =	stream.indirect.gather [hbm4b:s5+s6], $0x1, s30, s6, $0xb8;
	[tilespmem:$0x2000] =	vst v63  }
0x13d: {  	_ =	swait.ge [sflag:s20], $0x38  }
0x13e: {  	[sflag:s20] =	ssyncset.done $0x0  }
0x13f: {  	[sflag:s20] =	ssyncadd.s32 $0xFFFFFFC8  }
0x140: {  	_ =	swait.ge [sflag:s20], $0x38  }
0x141: {  	[sflag:s20] =	ssyncset.done $0x0  }
0x142: {  	[sflag:s20] =	ssyncadd.s32 $0xFFFFFFC8  }
0x143: {  	_ =	swait.ge [sflag:s20], $0x38  }
0x144: {  	[sflag:s20] =	ssyncset.done $0x0  }
0x145: {  	[sflag:s20] =	ssyncadd.s32 $0xFFFFFFC8  }
0x146: {  	_ =	swait.ge [sflag:s20], $0x38  }
0x147: {  	[sflag:s20] =	ssyncset.done $0x0  }
0x148: {  	[sflag:s20] =	ssyncadd.s32 $0xFFFFFFC8  }
0x149: {  	_ =	swait.ge [sflag:s20], $0x38  }
0x14a: {  	[sflag:s20] =	ssyncset.done $0x0  }
0x14b: {  	[sflag:s20] =	ssyncadd.s32 $0xFFFFFFC8  }
0x14c: {  	_ =	swait.ge [sflag:s20], $0x38  }
0x14d: {  	[sflag:s20] =	ssyncset.done $0x0  }
0x14e: {  	[sflag:s20] =	ssyncadd.s32 $0xFFFFFFC8  }
0x14f: {  	_ =	swait.ge [sflag:s20], $0x38  }
0x150: {  	[sflag:s20] =	ssyncset.done $0x0  }
0x151: {  	[sflag:s20] =	ssyncadd.s32 $0xFFFFFFC8  }
0x152: {  	_ =	swait.ge [sflag:s20], $0x38  }
0x153: {  	[sflag:s20] =	ssyncset.done $0x0  }
0x154: {  	[sflag:s20] =	ssyncadd.s32 $0xFFFFFFC8  }
0x155: {  	_ =	swait.ge [sflag:s20], $0x38  }
0x156: {  	[sflag:s20] =	ssyncset.done $0x0  }
0x157: {  	[sflag:s20] =	ssyncadd.s32 $0xFFFFFFC8  }
0x158: {  	_ =	swait.ge [sflag:s20], $0x38  }
0x159: {  	[sflag:s20] =	ssyncset.done $0x0  }
0x15a: {  	[sflag:s20] =	ssyncadd.s32 $0xFFFFFFC8  }
0x15b: {  	_ =	swait.ge [sflag:s20], $0x38  }
0x15c: {  	[sflag:s20] =	ssyncset.done $0x0  }
0x15d: {  	[sflag:s20] =	ssyncadd.s32 $0xFFFFFFC8  }
0x15e: {  	_ =	swait.ge [sflag:s20], $0x38  }
0x15f: {  	[sflag:s20] =	ssyncset.done $0x0  }
0x160: {  	[sflag:s20] =	ssyncadd.s32 $0xFFFFFFC8  }
0x161: {  	_ =	swait.ge [sflag:s20], $0x38  }
0x162: {  	[sflag:s20] =	ssyncset.done $0x0  }
0x163: {  	[sflag:s20] =	ssyncadd.s32 $0xFFFFFFC8  }
0x164: {  	_ =	swait.ge [sflag:s20], $0x38  }
0x165: {  	[sflag:s20] =	ssyncset.done $0x0  }
0x166: {  	[sflag:s20] =	ssyncadd.s32 $0xFFFFFFC8  }
0x167: {  	_ =	swait.ge [sflag:s20], $0x38  }
0x168: {  	[sflag:s20] =	ssyncset.done $0x0  }
0x169: {  	[sflag:s20] =	ssyncadd.s32 $0xFFFFFFC8  }
0x16a: {  	_ =	swait.ge [sflag:s20], $0x38  }
0x16b: {  	[sflag:s20] =	ssyncset.done $0x0  }
0x16c: {  	[sflag:s20] =	ssyncadd.s32 $0xFFFFFFC8  }
0x16d: {  	_ =	swait.ge [sflag:s20], $0x38  }
0x16e: {  	[sflag:s20] =	ssyncset.done $0x0  }
0x16f: {  	[sflag:s20] =	ssyncadd.s32 $0xFFFFFFC8  }
0x170: {  	_ =	swait.ge [sflag:s20], $0x38  }
0x171: {  	[sflag:s20] =	ssyncset.done $0x0  }
0x172: {  	[sflag:s20] =	ssyncadd.s32 $0xFFFFFFC8  }
0x173: {  	_ =	swait.ge [sflag:s20], $0x38  }
0x174: {  	[sflag:s20] =	ssyncset.done $0x0  }
0x175: {  	[sflag:s20] =	ssyncadd.s32 $0xFFFFFFC8  }
0x176: {  	_ =	swait.ge [sflag:s20], $0x38  }
0x177: {  	[sflag:s20] =	ssyncset.done $0x0  }
0x178: {  	[sflag:s20] =	ssyncadd.s32 $0xFFFFFFC8  }
0x179: {  	_ =	swait.ge [sflag:s20], $0x38  }
0x17a: {  	[sflag:s20] =	ssyncset.done $0x0  }
0x17b: {  	[sflag:s20] =	ssyncadd.s32 $0xFFFFFFC8  }
0x17c: {  	_ =	swait.ge [sflag:s20], $0x38  }
0x17d: {  	[sflag:s20] =	ssyncset.done $0x0  }
0x17e: {  	[sflag:s20] =	ssyncadd.s32 $0xFFFFFFC8  }
0x17f: {  	_ =	swait.ge [sflag:s20], $0x38  }
0x180: {  	[sflag:s20] =	ssyncset.done $0x0  }
0x181: {  	[sflag:s20] =	ssyncadd.s32 $0xFFFFFFC8  }
0x182: {  	_ =	swait.ge [sflag:s20], $0x38  }
0x183: {  	[sflag:s20] =	ssyncset.done $0x0  }
0x184: {  	[sflag:s20] =	ssyncadd.s32 $0xFFFFFFC8  }
0x185: {  	_ =	swait.ge [sflag:s20], $0x38  }
0x186: {  	[sflag:s20] =	ssyncset.done $0x0  }
0x187: {  	[sflag:s20] =	ssyncadd.s32 $0xFFFFFFC8  }
0x188: {  	_ =	swait.ge [sflag:s20], $0x38  }
0x189: {  	p0 =	sne.s32 s1, $0x1;
	[sflag:s20] =	ssyncset.done $0x0  }
.Ltmp1:
0x18a: {  	[sflag:s20] =	ssyncadd.s32 $0xFFFFFFC8;
	(pc) =	sbr.rel @p0 .LBB2_1-.Ltmp1, $4  }
0x18b: {  	_ =	swait.ge [sflag:s20], $0x38  }
0x18c: {  	[sflag:s20] =	ssyncset.done $0x0  }
0x18d: {  	[sflag:s20] =	ssyncadd.s32 $0xFFFFFFC8  }
0x18e: {  	s1 =	sadd.s32 $0xFFFFFFFF, s1;
	_ =	swait.ge [sflag:s20], $0x38  }
.LBB2_2:
0x18f: {  	[sflag:s20] =	ssyncset.done $0x0  }
0x190: {  	[sflag:s20] =	ssyncadd.s32 $0xFFFFFFC8  }
0x191: {  	_ =	swait.ge [sflag:s20], $0x38  }
0x192: {  	[sflag:s20] =	ssyncset.done $0x0  }
0x193: {  	[sflag:s20] =	ssyncadd.s32 $0xFFFFFFC8  }
0x194: {  	_ =	swait.ge [sflag:s20], $0x38  }
0x195: {  	[sflag:s20] =	ssyncset.done $0x0  }
0x196: {  	[sflag:s20] =	ssyncadd.s32 $0xFFFFFFC8  }
0x197: {  	_ =	swait.ge [sflag:s20], $0x38  }
0x198: {  	[sflag:s20] =	ssyncset.done $0x0  }
0x199: {  	[sflag:s20] =	ssyncadd.s32 $0xFFFFFFC8  }
0x19a: {  	_ =	swait.ge [sflag:s20], $0x38  }
0x19b: {  	[sflag:s20] =	ssyncset.done $0x0  }
0x19c: {  	s0 =	rddreg [dreg:$0x3];
	[sflag:s20] =	ssyncadd.s32 $0xFFFFFFC8  }
0x19d: {  	[hbm4b:s0+s2] =	stream.linear.scatter [tilespmem:s4], [sflag:$0x2], $0x1000, $0x38;
	[tilespmem:$0x2000] =	vst v63  }
0x19e: {  	_ =	swait.ge [sflag:s3], $0x1000  }
0x19f: {  	[sflag:s3] =	ssyncset.done $0x0  }
0x1a0: {  	[sflag:s3] =	ssyncadd.s32 $0xFFFFF000  }
0x1a1: {  	_ =	sfence.sel $0x180000  }
0x1a2: {  	[bflag:$0x0] =	sbarrier.arrive $0xFFFF  }
0x1a3: {  	_ =	strace $0x90000047  }
0x1a4: {  	s31 =	stileid.u32;
	[bflag:$0x2] =	sbarrier.arrive $0xFFFF  }
0x1a5: {  	p0 =	sne.s32 s31, $0x0;
	s0 =	rddreg [dreg:$0x1]  }
0x1a6: {  	s0 =	sadd.s32 @!p0 $0x100000, s0  }
0x1a7: {  	[sflag:s0] =	ssyncadd.tile.s32 @!p0 $0x1;
	_ =	shalt  }
.Lfunc_end2:
_tile_overlayer_lowered:
.L_overlay_start_2:
0x1a8: {  	(tag) =	ssettag $0x2  }
0x1a9: {  	s0 =	rddreg [dreg:$0x0];
	s2 =	stileid.u32  }
0x1aa: {  	s1 =	rddreg [dreg:$0x1];
	p0 =	sne.s32 s2, $0x0  }
0x1ab: {  	s3 =	rddreg [dreg:$0x2];
	[bflag:$0x3] =	sbarrier.arrive $0xFFFF;
	s2 =	simm.s32 @!p0 $0x1C02  }
0x1ac: {  	[timem:s3], [sflag:s2] =	dma.local @!p0 [hbm:s0], s1  }
0x1ad: {  	s0 =	simm.s32 @!p0 $0x2  }
0x1ae: {  	_ =	swait.ge @!p0 [sflag:s0], s1  }
0x1af: {  	s1 =	ssub.s32 @!p0 $0x0, s1;
	[sflag:s0] =	ssyncset.done @!p0 $0x0  }
0x1b0: {  	[sflag:s0] =	ssyncadd.s32 @!p0 s1  }
0x1b1: {  	[bflag:$0x3] =	sbarrier.arrive $0xFFFF  }
0x1b2: {  	_ =	shalt  }

</sc_bundles>
